<compile_context>
chip_gen: v7x
topology: tpu7x:2x2x1
jax: 0.10.2.dev20260603
libtpu: 0.0.44.dev20260713+nightly
codegen_flags: <defaults>
</compile_context>

<pallas_src>
import jax
import jax.numpy as jnp
from jax import lax
from jax.experimental import pallas as pl
from jax.experimental.pallas import tpu as pltpu
from jax.experimental.pallas import tpu_sc as plsc

N_NAT = 30
N_MOV = 30
N_CENT = 9
B = 16384
M = 5
D_NAT = 64
D_MOV = 64
D_CENT = 32

NC = 1
NS = 16
L = 16
NW = NC * NS
BPW = B // NW
NV = BPW // L

REC = BPW * (M + 3)
O_NAT = BPW
O_MOV = 2 * BPW
O_CENT = (M + 2) * BPW

T_NAT = 0
T_MOV = N_NAT * D_NAT
T_CENT = 2 * N_NAT * D_NAT
T_WORDS = 2 * N_NAT * D_NAT + N_CENT * D_CENT

ROW = 80
OFF_MOV = 32
OFF_CENT = 64
HIST_WORDS = L * ROW


def _sc_body(data_hbm, tab_hbm, out_hbm,
             data_v, tab_v, hist_v, svec_v, out_v, sem):
    wid = lax.axis_index("s") * NC + lax.axis_index("c")

    c0 = pltpu.async_copy(data_hbm.at[pl.ds(wid * REC, REC)], data_v, sem)
    c1 = pltpu.async_copy(tab_hbm, tab_v, sem)

    zero = jnp.zeros((L,), jnp.float32)

    def zero_step(i, _):
        hist_v[pl.ds(i * L, L)] = zero
        return 0
    lax.fori_loop(0, HIST_WORDS // L, zero_step, 0)

    c0.wait()
    c1.wait()

    lane = lax.iota(jnp.int32, L)
    rowbase = lane * ROW

    @plsc.parallel_loop(0, NV, unroll=4, carry=zero)
    def hist_step(i, wsum):
        o = i * L
        w = plsc.bitcast(data_v[pl.ds(o, L)], jnp.float32)
        wm = w * jnp.float32(1.0 / M)
        ni = data_v[pl.ds(O_NAT + o, L)]
        plsc.addupdate_scatter(hist_v, [rowbase + ni], w)
        for j in range(M):
            mj = data_v[pl.ds(O_MOV + j * BPW + o, L)]
            plsc.addupdate_scatter(hist_v, [rowbase + (OFF_MOV + mj)], wm)
        ci = data_v[pl.ds(O_CENT + o, L)]
        plsc.addupdate_scatter(hist_v, [rowbase + (OFF_CENT + ci)], w)
        return wsum + w

    wsum = hist_step

    for b in range(ROW // L):
        def red_step(ln, acc, b=b):
            return acc + hist_v[pl.ds(ln * ROW + b * L, L)]
        svec_v[pl.ds(b * L, L)] = lax.fori_loop(0, L, red_step, zero)

    def mv_nat(k, accs):
        sk = plsc.load_gather(svec_v, [jnp.full((L,), 1, jnp.int32) * k])
        return tuple(a + sk * tab_v[pl.ds(T_NAT + k * D_NAT + cb * L, L)]
                     for cb, a in enumerate(accs))
    def mv_mov(k, accs):
        sk = plsc.load_gather(svec_v, [jnp.full((L,), 1, jnp.int32) * (OFF_MOV + k)])
        return tuple(a + sk * tab_v[pl.ds(T_MOV + k * D_MOV + cb * L, L)]
                     for cb, a in enumerate(accs))
    def mv_cent(k, accs):
        sk = plsc.load_gather(svec_v, [jnp.full((L,), 1, jnp.int32) * (OFF_CENT + k)])
        return tuple(a + sk * tab_v[pl.ds(T_CENT + k * D_CENT + cb * L, L)]
                     for cb, a in enumerate(accs))

    acc_nat = lax.fori_loop(0, N_NAT, mv_nat, (zero,) * 4)
    acc_mov = lax.fori_loop(0, N_MOV, mv_mov, (zero,) * 4)
    acc_cent = lax.fori_loop(0, N_CENT, mv_cent, (zero,) * 2)

    for cb, a in enumerate(acc_nat + acc_mov + acc_cent):
        out_v[pl.ds(cb * L, L)] = a
    out_v[pl.ds(160, L)] = wsum
    pltpu.sync_copy(out_v, out_hbm.at[wid])


@jax.jit
def _run(data, tab):
    mesh = plsc.VectorSubcoreMesh(core_axis_name="c", subcore_axis_name="s",
                                  num_cores=NC, num_subcores=NS)
    out = pl.kernel(
        _sc_body,
        out_type=jax.ShapeDtypeStruct((NW, 176), jnp.float32),
        mesh=mesh,
        compiler_params=pltpu.CompilerParams(needs_layout_passes=False),
        scratch_types=[
            pltpu.VMEM((REC,), jnp.int32),
            pltpu.VMEM((T_WORDS,), jnp.float32),
            pltpu.VMEM((HIST_WORDS,), jnp.float32),
            pltpu.VMEM((ROW,), jnp.float32),
            pltpu.VMEM((176,), jnp.float32),
            pltpu.SemaphoreType.DMA,
        ],
    )(data, tab)
    return out[:, :160].sum(axis=0) / out[:, 160:].sum()


def kernel(weights, nat_table, mov_table, cent_table, nat_idx, mov_idx, cent_idx):
    w_i = jax.lax.bitcast_convert_type(weights, jnp.int32).reshape(NW, BPW)
    nat_i = nat_idx.astype(jnp.int32).reshape(NW, BPW)
    mov_i = (mov_idx.astype(jnp.int32).T
             .reshape(M, NW, BPW).transpose(1, 0, 2).reshape(NW, M * BPW))
    cent_i = cent_idx.astype(jnp.int32).reshape(NW, BPW)
    data = jnp.concatenate([w_i, nat_i, mov_i, cent_i], axis=1).reshape(-1)
    tab = jnp.concatenate([nat_table.reshape(-1), mov_table.reshape(-1),
                           cent_table.reshape(-1)])
    return _run(data, tab)

# --- scband reference (transcript-rebuilt; emitter-appended) ---
"""Pipeline reference for scband-weighted-artist-embedder-52613349376803 (READ-ONLY COPY).

The authoritative reference and input builder live on the scoring server;
editing this copy changes nothing except your own understanding.
"""

import jax, jax.numpy as jnp
import numpy as np

N_NAT = 30
N_MOV = 30
N_CENT = 9
B = 16384
M = 5

def setup_inputs(seed: int = 0) -> dict:
    key = jax.random.key(seed)
    k1, k2, k3, k4, k5, k6, k7 = jax.random.split(key, 7)
    weights = jax.random.uniform(k1, (B,), dtype=jnp.float32)
    nat_idx = jax.random.randint(k2, (B,), 0, N_NAT, dtype=jnp.int64) if jax.config.read('jax_enable_x64') else jax.random.randint(k2, (B,), 0, N_NAT)
    mov_idx = jax.random.randint(k3, (B, M), 0, N_MOV)
    cent_idx = jax.random.randint(k4, (B,), 0, N_CENT)
    nat_table = jax.random.normal(k5, (N_NAT, 64), dtype=jnp.float32)
    mov_table = jax.random.normal(k6, (N_MOV, 64), dtype=jnp.float32)
    cent_table = jax.random.normal(k7, (N_CENT, 32), dtype=jnp.float32)
    return {"weights": weights, "nat_table": nat_table, "mov_table": mov_table,
            "cent_table": cent_table, "nat_idx": nat_idx, "mov_idx": mov_idx,
            "cent_idx": cent_idx}

def reference(weights, nat_table, mov_table, cent_table, nat_idx, mov_idx, cent_idx):
    # Tensorized equivalent of WeightedArtistEmbedder.forward:
    # per-artist features = concat(nat_emb[64], mean(mov_embs)[64], cent_emb[32]) -> [B, 160]
    nat_emb = jnp.take(nat_table, nat_idx, axis=0)            # [B, 64] gather
    mov_emb = jnp.mean(jnp.take(mov_table, mov_idx, axis=0), axis=1)  # [B, M, 64] gather -> mean over M
    cent_emb = jnp.take(cent_table, cent_idx, axis=0)         # [B, 32] gather
    feats = jnp.concatenate([nat_emb, mov_emb, cent_emb], axis=-1)    # [B, 160]
    out = jnp.einsum('i,ij->j', weights, feats) / jnp.sum(weights)    # [160]
    return out

if __name__ == "__main__":
    import jax
    _d = setup_inputs()
    print(jax.jit(kernel)(*tuple(_d.values())))

</pallas_src>

<mosaic_0001>
#map = affine_map<(d0, d1) -> (0)>
#map1 = affine_map<(d0, d1) -> (0, 0)>
module attributes {stable_mosaic.version = 14 : i64} {
  func.func @_sc_body(%arg0: i32, %arg1: i32, %arg2: memref<131072xi32, #tpu.memory_space<hbm>>, %arg3: memref<4128xf32, #tpu.memory_space<hbm>>, %arg4: memref<16x176xf32, #tpu.memory_space<hbm>>, %arg5: memref<8192xi32, #tpu.memory_space<vmem>>, %arg6: memref<4128xf32, #tpu.memory_space<vmem>>, %arg7: memref<1280xf32, #tpu.memory_space<vmem>>, %arg8: memref<80xf32, #tpu.memory_space<vmem>>, %arg9: memref<176xf32, #tpu.memory_space<vmem>>, %arg10: memref<!tpu.dma_semaphore, #tpu.memory_space<semaphore_mem>>) attributes {dimension_semantics = [#tpu.dimension_semantics<core_parallel>, #tpu.dimension_semantics<subcore_parallel>], iteration_bounds = array<i64: 1, 16>, scalar_prefetch = 0 : i64, scratch_operands = 6 : i64, tpu.core_type = #tpu.core_type<sc_vector_subcore>, window_params = [{transform_indices = #map}, {transform_indices = #map}, {transform_indices = #map1}]} {
    %mul3A = arith.constant 1 : i32
    %mul3A_0 = arith.muli %arg1, %mul3A : i32
    %add3A = arith.addi %mul3A_0, %arg0 : i32
    %mul3A_1 = arith.constant 8192 : i32
    %mul3A_2 = arith.muli %add3A, %mul3A_1 : i32
    %dma_start3A = tpu.memref_slice %arg2[%mul3A_2] : memref<131072xi32, #tpu.memory_space<hbm>> -> memref<8192xi32, #tpu.memory_space<hbm>>
    %dma_start3A_3 = tpu.memref_slice %arg2[%mul3A_2] : memref<131072xi32, #tpu.memory_space<hbm>> -> memref<8192xi32, #tpu.memory_space<hbm>>
    tpu.enqueue_dma source(%dma_start3A_3 : memref<8192xi32, #tpu.memory_space<hbm>>) target(%arg5 : memref<8192xi32, #tpu.memory_space<vmem>>) target_semaphore(%arg10 : memref<!tpu.dma_semaphore, #tpu.memory_space<semaphore_mem>>)
    tpu.enqueue_dma source(%arg3 : memref<4128xf32, #tpu.memory_space<hbm>>) target(%arg6 : memref<4128xf32, #tpu.memory_space<vmem>>) target_semaphore(%arg10 : memref<!tpu.dma_semaphore, #tpu.memory_space<semaphore_mem>>)
    %broadcast_in_dim3A = arith.constant 0.000000e+00 : f32
    %broadcast_in_dim3A_4 = vector.broadcast %broadcast_in_dim3A : f32 to vector<16xf32>
    %scan3A = arith.constant 0 : i32
    %scan3A_5 = arith.constant 0 : i32
    %scan3A_6 = arith.constant 80 : i32
    %scan3A_7 = arith.addi %scan3A_5, %scan3A_6 : i32
    %scan3A_8 = arith.constant 1 : i32
    %scan3A_9 = scf.for %scan3A_97 = %scan3A_5 to %scan3A_7 step %scan3A_8 iter_args(%scan3A_98 = %scan3A) -> (i32)  : i32 {
      %mul3A_99 = arith.constant 16 : i32
      %mul3A_100 = arith.muli %scan3A_97, %mul3A_99 : i32
      %swap3A_101 = arith.index_cast %mul3A_100 : i32 to index
      %swap3A_102 = tpu.vector_load %arg7[%swap3A_101] {strides = array<i32>} : memref<1280xf32, #tpu.memory_space<vmem>>, vector<16xf32>,
      tpu.vector_store %arg7[%swap3A_101], %broadcast_in_dim3A_4 {strides = array<i32>} : memref<1280xf32, #tpu.memory_space<vmem>>, vector<16xf32>,
      %scan3A_103 = arith.constant 0 : i32
      scf.yield %scan3A_103 : i32
    }
    %scan3A_10 = arith.constant 80 : i32
    %dma_wait3A = tpu.memref_slice %arg2[%mul3A_2] : memref<131072xi32, #tpu.memory_space<hbm>> -> memref<8192xi32, #tpu.memory_space<hbm>>
    %dma_wait3A_11 = tpu.memref_slice %arg2[%mul3A_2] : memref<131072xi32, #tpu.memory_space<hbm>> -> memref<8192xi32, #tpu.memory_space<hbm>>
    tpu.wait_dma2 semaphore(%arg10 : memref<!tpu.dma_semaphore, #tpu.memory_space<semaphore_mem>>) src(%dma_wait3A_11 : memref<8192xi32, #tpu.memory_space<hbm>>) dst(%arg5 : memref<8192xi32, #tpu.memory_space<vmem>>)
    tpu.wait_dma2 semaphore(%arg10 : memref<!tpu.dma_semaphore, #tpu.memory_space<semaphore_mem>>) src(%arg3 : memref<4128xf32, #tpu.memory_space<hbm>>) dst(%arg6 : memref<4128xf32, #tpu.memory_space<vmem>>)
    %iota3A = tpu.iota {dimensions = array<i32: 0>} : vector<16xi32>
    %mul3A_12 = arith.constant 80 : i32
    %mul3A_13 = vector.broadcast %mul3A_12 : i32 to vector<16xi32>
    %mul3A_14 = arith.muli %iota3A, %mul3A_13 : vector<16xi32>
    %parallel_loop3A = arith.constant 0 : i32
    %parallel_loop3A_15 = arith.constant 64 : i32
    %parallel_loop3A_16 = arith.constant 1 : i32
    %parallel_loop3A_17 = scf.for %parallel_loop3A_97 = %parallel_loop3A to %parallel_loop3A_15 step %parallel_loop3A_16 iter_args(%parallel_loop3A_98 = %broadcast_in_dim3A_4) -> (vector<16xf32>)  : i32 {
      %parallel_loop3A_99 = arith.constant 16 : i32
      %parallel_loop3A_100 = arith.muli %parallel_loop3A_97, %parallel_loop3A_99 : i32
      %parallel_loop3A_101 = arith.index_cast %parallel_loop3A_100 : i32 to index
      %parallel_loop3A_102 = tpu.vector_load %arg5[%parallel_loop3A_101] {strides = array<i32>} : memref<8192xi32, #tpu.memory_space<vmem>>, vector<16xi32>,
      %parallel_loop3A_103 = vector.bitcast %parallel_loop3A_102 : vector<16xi32> to vector<16xf32>
      %parallel_loop3A_104 = arith.constant 2.000000e-01 : f32
      %parallel_loop3A_105 = vector.broadcast %parallel_loop3A_104 : f32 to vector<16xf32>
      %parallel_loop3A_106 = arith.mulf %parallel_loop3A_103, %parallel_loop3A_105 : vector<16xf32>
      %parallel_loop3A_107 = arith.constant 1024 : i32
      %parallel_loop3A_108 = arith.addi %parallel_loop3A_107, %parallel_loop3A_100 : i32
      %parallel_loop3A_109 = arith.index_cast %parallel_loop3A_108 : i32 to index
      %parallel_loop3A_110 = tpu.vector_load %arg5[%parallel_loop3A_109] {strides = array<i32>} : memref<8192xi32, #tpu.memory_space<vmem>>, vector<16xi32>,
      %parallel_loop3A_111 = arith.addi %mul3A_14, %parallel_loop3A_110 : vector<16xi32>
      tpu.vector_store_idx %arg7[%parallel_loop3A_111], %parallel_loop3A_103 {add = true} : memref<1280xf32, #tpu.memory_space<vmem>>[vector<16xi32>], vector<16xf32>,
      %parallel_loop3A_112 = arith.constant 2048 : i32
      %parallel_loop3A_113 = arith.addi %parallel_loop3A_112, %parallel_loop3A_100 : i32
      %parallel_loop3A_114 = arith.index_cast %parallel_loop3A_113 : i32 to index
      %parallel_loop3A_115 = tpu.vector_load %arg5[%parallel_loop3A_114] {strides = array<i32>} : memref<8192xi32, #tpu.memory_space<vmem>>, vector<16xi32>,
      %parallel_loop3A_116 = arith.constant 32 : i32
      %parallel_loop3A_117 = vector.broadcast %parallel_loop3A_116 : i32 to vector<16xi32>
      %parallel_loop3A_118 = arith.addi %parallel_loop3A_117, %parallel_loop3A_115 : vector<16xi32>
      %parallel_loop3A_119 = arith.addi %mul3A_14, %parallel_loop3A_118 : vector<16xi32>
      tpu.vector_store_idx %arg7[%parallel_loop3A_119], %parallel_loop3A_106 {add = true} : memref<1280xf32, #tpu.memory_space<vmem>>[vector<16xi32>], vector<16xf32>,
      %parallel_loop3A_120 = arith.constant 3072 : i32
      %parallel_loop3A_121 = arith.addi %parallel_loop3A_120, %parallel_loop3A_100 : i32
      %parallel_loop3A_122 = arith.index_cast %parallel_loop3A_121 : i32 to index
      %parallel_loop3A_123 = tpu.vector_load %arg5[%parallel_loop3A_122] {strides = array<i32>} : memref<8192xi32, #tpu.memory_space<vmem>>, vector<16xi32>,
      %parallel_loop3A_124 = arith.constant 32 : i32
      %parallel_loop3A_125 = vector.broadcast %parallel_loop3A_124 : i32 to vector<16xi32>
      %parallel_loop3A_126 = arith.addi %parallel_loop3A_125, %parallel_loop3A_123 : vector<16xi32>
      %parallel_loop3A_127 = arith.addi %mul3A_14, %parallel_loop3A_126 : vector<16xi32>
      tpu.vector_store_idx %arg7[%parallel_loop3A_127], %parallel_loop3A_106 {add = true} : memref<1280xf32, #tpu.memory_space<vmem>>[vector<16xi32>], vector<16xf32>,
      %parallel_loop3A_128 = arith.constant 4096 : i32
      %parallel_loop3A_129 = arith.addi %parallel_loop3A_128, %parallel_loop3A_100 : i32
      %parallel_loop3A_130 = arith.index_cast %parallel_loop3A_129 : i32 to index
      %parallel_loop3A_131 = tpu.vector_load %arg5[%parallel_loop3A_130] {strides = array<i32>} : memref<8192xi32, #tpu.memory_space<vmem>>, vector<16xi32>,
      %parallel_loop3A_132 = arith.constant 32 : i32
      %parallel_loop3A_133 = vector.broadcast %parallel_loop3A_132 : i32 to vector<16xi32>
      %parallel_loop3A_134 = arith.addi %parallel_loop3A_133, %parallel_loop3A_131 : vector<16xi32>
      %parallel_loop3A_135 = arith.addi %mul3A_14, %parallel_loop3A_134 : vector<16xi32>
      tpu.vector_store_idx %arg7[%parallel_loop3A_135], %parallel_loop3A_106 {add = true} : memref<1280xf32, #tpu.memory_space<vmem>>[vector<16xi32>], vector<16xf32>,
      %parallel_loop3A_136 = arith.constant 5120 : i32
      %parallel_loop3A_137 = arith.addi %parallel_loop3A_136, %parallel_loop3A_100 : i32
      %parallel_loop3A_138 = arith.index_cast %parallel_loop3A_137 : i32 to index
      %parallel_loop3A_139 = tpu.vector_load %arg5[%parallel_loop3A_138] {strides = array<i32>} : memref<8192xi32, #tpu.memory_space<vmem>>, vector<16xi32>,
      %parallel_loop3A_140 = arith.constant 32 : i32
      %parallel_loop3A_141 = vector.broadcast %parallel_loop3A_140 : i32 to vector<16xi32>
      %parallel_loop3A_142 = arith.addi %parallel_loop3A_141, %parallel_loop3A_139 : vector<16xi32>
      %parallel_loop3A_143 = arith.addi %mul3A_14, %parallel_loop3A_142 : vector<16xi32>
      tpu.vector_store_idx %arg7[%parallel_loop3A_143], %parallel_loop3A_106 {add = true} : memref<1280xf32, #tpu.memory_space<vmem>>[vector<16xi32>], vector<16xf32>,
      %parallel_loop3A_144 = arith.constant 6144 : i32
      %parallel_loop3A_145 = arith.addi %parallel_loop3A_144, %parallel_loop3A_100 : i32
      %parallel_loop3A_146 = arith.index_cast %parallel_loop3A_145 : i32 to index
      %parallel_loop3A_147 = tpu.vector_load %arg5[%parallel_loop3A_146] {strides = array<i32>} : memref<8192xi32, #tpu.memory_space<vmem>>, vector<16xi32>,
      %parallel_loop3A_148 = arith.constant 32 : i32
      %parallel_loop3A_149 = vector.broadcast %parallel_loop3A_148 : i32 to vector<16xi32>
      %parallel_loop3A_150 = arith.addi %parallel_loop3A_149, %parallel_loop3A_147 : vector<16xi32>
      %parallel_loop3A_151 = arith.addi %mul3A_14, %parallel_loop3A_150 : vector<16xi32>
      tpu.vector_store_idx %arg7[%parallel_loop3A_151], %parallel_loop3A_106 {add = true} : memref<1280xf32, #tpu.memory_space<vmem>>[vector<16xi32>], vector<16xf32>,
      %parallel_loop3A_152 = arith.constant 7168 : i32
      %parallel_loop3A_153 = arith.addi %parallel_loop3A_152, %parallel_loop3A_100 : i32
      %parallel_loop3A_154 = arith.index_cast %parallel_loop3A_153 : i32 to index
      %parallel_loop3A_155 = tpu.vector_load %arg5[%parallel_loop3A_154] {strides = array<i32>} : memref<8192xi32, #tpu.memory_space<vmem>>, vector<16xi32>,
      %parallel_loop3A_156 = arith.constant 64 : i32
      %parallel_loop3A_157 = vector.broadcast %parallel_loop3A_156 : i32 to vector<16xi32>
      %parallel_loop3A_158 = arith.addi %parallel_loop3A_157, %parallel_loop3A_155 : vector<16xi32>
      %parallel_loop3A_159 = arith.addi %mul3A_14, %parallel_loop3A_158 : vector<16xi32>
      tpu.vector_store_idx %arg7[%parallel_loop3A_159], %parallel_loop3A_103 {add = true} : memref<1280xf32, #tpu.memory_space<vmem>>[vector<16xi32>], vector<16xf32>,
      %parallel_loop3A_160 = arith.addf %parallel_loop3A_98, %parallel_loop3A_103 : vector<16xf32>
      scf.yield %parallel_loop3A_160 : vector<16xf32>
    } {sc.loop_unroll_factor = 4 : i64, sc.parallel_access}
    %scan3A_18 = arith.constant 0 : i32
    %scan3A_19 = arith.constant 16 : i32
    %scan3A_20 = arith.addi %scan3A_18, %scan3A_19 : i32
    %scan3A_21 = arith.constant 1 : i32
    %scan3A_22 = scf.for %scan3A_97 = %scan3A_18 to %scan3A_20 step %scan3A_21 iter_args(%scan3A_98 = %broadcast_in_dim3A_4) -> (vector<16xf32>)  : i32 {
      %mul3A_99 = arith.constant 80 : i32
      %mul3A_100 = arith.muli %scan3A_97, %mul3A_99 : i32
      %add3A_101 = arith.constant 0 : i32
      %add3A_102 = arith.addi %mul3A_100, %add3A_101 : i32
      %get3A = arith.index_cast %add3A_102 : i32 to index
      %get3A_103 = tpu.vector_load %arg7[%get3A] {strides = array<i32>} : memref<1280xf32, #tpu.memory_space<vmem>>, vector<16xf32>,
      %add3A_104 = arith.addf %scan3A_98, %get3A_103 : vector<16xf32>
      scf.yield %add3A_104 : vector<16xf32>
    }
    %scan3A_23 = arith.constant 16 : i32
    %swap3A = arith.constant 0 : index
    %swap3A_24 = tpu.vector_load %arg8[%swap3A] {strides = array<i32>} : memref<80xf32, #tpu.memory_space<vmem>>, vector<16xf32>,
    tpu.vector_store %arg8[%swap3A], %scan3A_22 {strides = array<i32>} : memref<80xf32, #tpu.memory_space<vmem>>, vector<16xf32>,
    %scan3A_25 = arith.constant 0 : i32
    %scan3A_26 = arith.constant 16 : i32
    %scan3A_27 = arith.addi %scan3A_25, %scan3A_26 : i32
    %scan3A_28 = arith.constant 1 : i32
    %scan3A_29 = scf.for %scan3A_97 = %scan3A_25 to %scan3A_27 step %scan3A_28 iter_args(%scan3A_98 = %broadcast_in_dim3A_4) -> (vector<16xf32>)  : i32 {
      %mul3A_99 = arith.constant 80 : i32
      %mul3A_100 = arith.muli %scan3A_97, %mul3A_99 : i32
      %add3A_101 = arith.constant 16 : i32
      %add3A_102 = arith.addi %mul3A_100, %add3A_101 : i32
      %get3A = arith.index_cast %add3A_102 : i32 to index
      %get3A_103 = tpu.vector_load %arg7[%get3A] {strides = array<i32>} : memref<1280xf32, #tpu.memory_space<vmem>>, vector<16xf32>,
      %add3A_104 = arith.addf %scan3A_98, %get3A_103 : vector<16xf32>
      scf.yield %add3A_104 : vector<16xf32>
    }
    %scan3A_30 = arith.constant 16 : i32
    %swap3A_31 = arith.constant 16 : index
    %swap3A_32 = tpu.vector_load %arg8[%swap3A_31] {strides = array<i32>} : memref<80xf32, #tpu.memory_space<vmem>>, vector<16xf32>,
    tpu.vector_store %arg8[%swap3A_31], %scan3A_29 {strides = array<i32>} : memref<80xf32, #tpu.memory_space<vmem>>, vector<16xf32>,
    %scan3A_33 = arith.constant 0 : i32
    %scan3A_34 = arith.constant 16 : i32
    %scan3A_35 = arith.addi %scan3A_33, %scan3A_34 : i32
    %scan3A_36 = arith.constant 1 : i32
    %scan3A_37 = scf.for %scan3A_97 = %scan3A_33 to %scan3A_35 step %scan3A_36 iter_args(%scan3A_98 = %broadcast_in_dim3A_4) -> (vector<16xf32>)  : i32 {
      %mul3A_99 = arith.constant 80 : i32
      %mul3A_100 = arith.muli %scan3A_97, %mul3A_99 : i32
      %add3A_101 = arith.constant 32 : i32
      %add3A_102 = arith.addi %mul3A_100, %add3A_101 : i32
      %get3A = arith.index_cast %add3A_102 : i32 to index
      %get3A_103 = tpu.vector_load %arg7[%get3A] {strides = array<i32>} : memref<1280xf32, #tpu.memory_space<vmem>>, vector<16xf32>,
      %add3A_104 = arith.addf %scan3A_98, %get3A_103 : vector<16xf32>
      scf.yield %add3A_104 : vector<16xf32>
    }
    %scan3A_38 = arith.constant 16 : i32
    %swap3A_39 = arith.constant 32 : index
    %swap3A_40 = tpu.vector_load %arg8[%swap3A_39] {strides = array<i32>} : memref<80xf32, #tpu.memory_space<vmem>>, vector<16xf32>,
    tpu.vector_store %arg8[%swap3A_39], %scan3A_37 {strides = array<i32>} : memref<80xf32, #tpu.memory_space<vmem>>, vector<16xf32>,
    %scan3A_41 = arith.constant 0 : i32
    %scan3A_42 = arith.constant 16 : i32
    %scan3A_43 = arith.addi %scan3A_41, %scan3A_42 : i32
    %scan3A_44 = arith.constant 1 : i32
    %scan3A_45 = scf.for %scan3A_97 = %scan3A_41 to %scan3A_43 step %scan3A_44 iter_args(%scan3A_98 = %broadcast_in_dim3A_4) -> (vector<16xf32>)  : i32 {
      %mul3A_99 = arith.constant 80 : i32
      %mul3A_100 = arith.muli %scan3A_97, %mul3A_99 : i32
      %add3A_101 = arith.constant 48 : i32
      %add3A_102 = arith.addi %mul3A_100, %add3A_101 : i32
      %get3A = arith.index_cast %add3A_102 : i32 to index
      %get3A_103 = tpu.vector_load %arg7[%get3A] {strides = array<i32>} : memref<1280xf32, #tpu.memory_space<vmem>>, vector<16xf32>,
      %add3A_104 = arith.addf %scan3A_98, %get3A_103 : vector<16xf32>
      scf.yield %add3A_104 : vector<16xf32>
    }
    %scan3A_46 = arith.constant 16 : i32
    %swap3A_47 = arith.constant 48 : index
    %swap3A_48 = tpu.vector_load %arg8[%swap3A_47] {strides = array<i32>} : memref<80xf32, #tpu.memory_space<vmem>>, vector<16xf32>,
    tpu.vector_store %arg8[%swap3A_47], %scan3A_45 {strides = array<i32>} : memref<80xf32, #tpu.memory_space<vmem>>, vector<16xf32>,
    %scan3A_49 = arith.constant 0 : i32
    %scan3A_50 = arith.constant 16 : i32
    %scan3A_51 = arith.addi %scan3A_49, %scan3A_50 : i32
    %scan3A_52 = arith.constant 1 : i32
    %scan3A_53 = scf.for %scan3A_97 = %scan3A_49 to %scan3A_51 step %scan3A_52 iter_args(%scan3A_98 = %broadcast_in_dim3A_4) -> (vector<16xf32>)  : i32 {
      %mul3A_99 = arith.constant 80 : i32
      %mul3A_100 = arith.muli %scan3A_97, %mul3A_99 : i32
      %add3A_101 = arith.constant 64 : i32
      %add3A_102 = arith.addi %mul3A_100, %add3A_101 : i32
      %get3A = arith.index_cast %add3A_102 : i32 to index
      %get3A_103 = tpu.vector_load %arg7[%get3A] {strides = array<i32>} : memref<1280xf32, #tpu.memory_space<vmem>>, vector<16xf32>,
      %add3A_104 = arith.addf %scan3A_98, %get3A_103 : vector<16xf32>
      scf.yield %add3A_104 : vector<16xf32>
    }
    %scan3A_54 = arith.constant 16 : i32
    %swap3A_55 = arith.constant 64 : index
    %swap3A_56 = tpu.vector_load %arg8[%swap3A_55] {strides = array<i32>} : memref<80xf32, #tpu.memory_space<vmem>>, vector<16xf32>,
    tpu.vector_store %arg8[%swap3A_55], %scan3A_53 {strides = array<i32>} : memref<80xf32, #tpu.memory_space<vmem>>, vector<16xf32>,
    %scan3A_57 = arith.constant 0 : i32
    %scan3A_58 = arith.constant 30 : i32
    %scan3A_59 = arith.addi %scan3A_57, %scan3A_58 : i32
    %scan3A_60 = arith.constant 1 : i32
    %scan3A_61:4 = scf.for %scan3A_97 = %scan3A_57 to %scan3A_59 step %scan3A_60 iter_args(%scan3A_98 = %broadcast_in_dim3A_4, %scan3A_99 = %broadcast_in_dim3A_4, %scan3A_100 = %broadcast_in_dim3A_4, %scan3A_101 = %broadcast_in_dim3A_4) -> (vector<16xf32>, vector<16xf32>, vector<16xf32>, vector<16xf32>)  : i32 {
      %broadcast_in_dim3A_102 = arith.constant 1 : i32
      %broadcast_in_dim3A_103 = vector.broadcast %broadcast_in_dim3A_102 : i32 to vector<16xi32>
      %mul3A_104 = vector.broadcast %scan3A_97 : i32 to vector<16xi32>
      %mul3A_105 = arith.muli %broadcast_in_dim3A_103, %mul3A_104 : vector<16xi32>
      %gather3A = tpu.vector_load_idx %arg8[%mul3A_105] : memref<80xf32, #tpu.memory_space<vmem>>[vector<16xi32>], vector<16xf32>,
      %mul3A_106 = arith.constant 64 : i32
      %mul3A_107 = arith.muli %scan3A_97, %mul3A_106 : i32
      %add3A_108 = arith.constant 0 : i32
      %add3A_109 = arith.addi %add3A_108, %mul3A_107 : i32
      %add3A_110 = arith.constant 0 : i32
      %add3A_111 = arith.addi %add3A_109, %add3A_110 : i32
      %get3A = arith.index_cast %add3A_111 : i32 to index
      %get3A_112 = tpu.vector_load %arg6[%get3A] {strides = array<i32>} : memref<4128xf32, #tpu.memory_space<vmem>>, vector<16xf32>,
      %mul3A_113 = arith.mulf %gather3A, %get3A_112 : vector<16xf32>
      %add3A_114 = arith.addf %scan3A_98, %mul3A_113 : vector<16xf32>
      %mul3A_115 = arith.constant 64 : i32
      %mul3A_116 = arith.muli %scan3A_97, %mul3A_115 : i32
      %add3A_117 = arith.constant 0 : i32
      %add3A_118 = arith.addi %add3A_117, %mul3A_116 : i32
      %add3A_119 = arith.constant 16 : i32
      %add3A_120 = arith.addi %add3A_118, %add3A_119 : i32
      %get3A_121 = arith.index_cast %add3A_120 : i32 to index
      %get3A_122 = tpu.vector_load %arg6[%get3A_121] {strides = array<i32>} : memref<4128xf32, #tpu.memory_space<vmem>>, vector<16xf32>,
      %mul3A_123 = arith.mulf %gather3A, %get3A_122 : vector<16xf32>
      %add3A_124 = arith.addf %scan3A_99, %mul3A_123 : vector<16xf32>
      %mul3A_125 = arith.constant 64 : i32
      %mul3A_126 = arith.muli %scan3A_97, %mul3A_125 : i32
      %add3A_127 = arith.constant 0 : i32
      %add3A_128 = arith.addi %add3A_127, %mul3A_126 : i32
      %add3A_129 = arith.constant 32 : i32
      %add3A_130 = arith.addi %add3A_128, %add3A_129 : i32
      %get3A_131 = arith.index_cast %add3A_130 : i32 to index
      %get3A_132 = tpu.vector_load %arg6[%get3A_131] {strides = array<i32>} : memref<4128xf32, #tpu.memory_space<vmem>>, vector<16xf32>,
      %mul3A_133 = arith.mulf %gather3A, %get3A_132 : vector<16xf32>
      %add3A_134 = arith.addf %scan3A_100, %mul3A_133 : vector<16xf32>
      %mul3A_135 = arith.constant 64 : i32
      %mul3A_136 = arith.muli %scan3A_97, %mul3A_135 : i32
      %add3A_137 = arith.constant 0 : i32
      %add3A_138 = arith.addi %add3A_137, %mul3A_136 : i32
      %add3A_139 = arith.constant 48 : i32
      %add3A_140 = arith.addi %add3A_138, %add3A_139 : i32
      %get3A_141 = arith.index_cast %add3A_140 : i32 to index
      %get3A_142 = tpu.vector_load %arg6[%get3A_141] {strides = array<i32>} : memref<4128xf32, #tpu.memory_space<vmem>>, vector<16xf32>,
      %mul3A_143 = arith.mulf %gather3A, %get3A_142 : vector<16xf32>
      %add3A_144 = arith.addf %scan3A_101, %mul3A_143 : vector<16xf32>
      scf.yield %add3A_114, %add3A_124, %add3A_134, %add3A_144 : vector<16xf32>, vector<16xf32>, vector<16xf32>, vector<16xf32>
    }
    %scan3A_62 = arith.constant 30 : i32
    %scan3A_63 = arith.constant 0 : i32
    %scan3A_64 = arith.constant 30 : i32
    %scan3A_65 = arith.addi %scan3A_63, %scan3A_64 : i32
    %scan3A_66 = arith.constant 1 : i32
    %scan3A_67:4 = scf.for %scan3A_97 = %scan3A_63 to %scan3A_65 step %scan3A_66 iter_args(%scan3A_98 = %broadcast_in_dim3A_4, %scan3A_99 = %broadcast_in_dim3A_4, %scan3A_100 = %broadcast_in_dim3A_4, %scan3A_101 = %broadcast_in_dim3A_4) -> (vector<16xf32>, vector<16xf32>, vector<16xf32>, vector<16xf32>)  : i32 {
      %broadcast_in_dim3A_102 = arith.constant 1 : i32
      %broadcast_in_dim3A_103 = vector.broadcast %broadcast_in_dim3A_102 : i32 to vector<16xi32>
      %add3A_104 = arith.constant 32 : i32
      %add3A_105 = arith.addi %add3A_104, %scan3A_97 : i32
      %mul3A_106 = vector.broadcast %add3A_105 : i32 to vector<16xi32>
      %mul3A_107 = arith.muli %broadcast_in_dim3A_103, %mul3A_106 : vector<16xi32>
      %gather3A = tpu.vector_load_idx %arg8[%mul3A_107] : memref<80xf32, #tpu.memory_space<vmem>>[vector<16xi32>], vector<16xf32>,
      %mul3A_108 = arith.constant 64 : i32
      %mul3A_109 = arith.muli %scan3A_97, %mul3A_108 : i32
      %add3A_110 = arith.constant 1920 : i32
      %add3A_111 = arith.addi %add3A_110, %mul3A_109 : i32
      %add3A_112 = arith.constant 0 : i32
      %add3A_113 = arith.addi %add3A_111, %add3A_112 : i32
      %get3A = arith.index_cast %add3A_113 : i32 to index
      %get3A_114 = tpu.vector_load %arg6[%get3A] {strides = array<i32>} : memref<4128xf32, #tpu.memory_space<vmem>>, vector<16xf32>,
      %mul3A_115 = arith.mulf %gather3A, %get3A_114 : vector<16xf32>
      %add3A_116 = arith.addf %scan3A_98, %mul3A_115 : vector<16xf32>
      %mul3A_117 = arith.constant 64 : i32
      %mul3A_118 = arith.muli %scan3A_97, %mul3A_117 : i32
      %add3A_119 = arith.constant 1920 : i32
      %add3A_120 = arith.addi %add3A_119, %mul3A_118 : i32
      %add3A_121 = arith.constant 16 : i32
      %add3A_122 = arith.addi %add3A_120, %add3A_121 : i32
      %get3A_123 = arith.index_cast %add3A_122 : i32 to index
      %get3A_124 = tpu.vector_load %arg6[%get3A_123] {strides = array<i32>} : memref<4128xf32, #tpu.memory_space<vmem>>, vector<16xf32>,
      %mul3A_125 = arith.mulf %gather3A, %get3A_124 : vector<16xf32>
      %add3A_126 = arith.addf %scan3A_99, %mul3A_125 : vector<16xf32>
      %mul3A_127 = arith.constant 64 : i32
      %mul3A_128 = arith.muli %scan3A_97, %mul3A_127 : i32
      %add3A_129 = arith.constant 1920 : i32
      %add3A_130 = arith.addi %add3A_129, %mul3A_128 : i32
      %add3A_131 = arith.constant 32 : i32
      %add3A_132 = arith.addi %add3A_130, %add3A_131 : i32
      %get3A_133 = arith.index_cast %add3A_132 : i32 to index
      %get3A_134 = tpu.vector_load %arg6[%get3A_133] {strides = array<i32>} : memref<4128xf32, #tpu.memory_space<vmem>>, vector<16xf32>,
      %mul3A_135 = arith.mulf %gather3A, %get3A_134 : vector<16xf32>
      %add3A_136 = arith.addf %scan3A_100, %mul3A_135 : vector<16xf32>
      %mul3A_137 = arith.constant 64 : i32
      %mul3A_138 = arith.muli %scan3A_97, %mul3A_137 : i32
      %add3A_139 = arith.constant 1920 : i32
      %add3A_140 = arith.addi %add3A_139, %mul3A_138 : i32
      %add3A_141 = arith.constant 48 : i32
      %add3A_142 = arith.addi %add3A_140, %add3A_141 : i32
      %get3A_143 = arith.index_cast %add3A_142 : i32 to index
      %get3A_144 = tpu.vector_load %arg6[%get3A_143] {strides = array<i32>} : memref<4128xf32, #tpu.memory_space<vmem>>, vector<16xf32>,
      %mul3A_145 = arith.mulf %gather3A, %get3A_144 : vector<16xf32>
      %add3A_146 = arith.addf %scan3A_101, %mul3A_145 : vector<16xf32>
      scf.yield %add3A_116, %add3A_126, %add3A_136, %add3A_146 : vector<16xf32>, vector<16xf32>, vector<16xf32>, vector<16xf32>
    }
    %scan3A_68 = arith.constant 30 : i32
    %scan3A_69 = arith.constant 0 : i32
    %scan3A_70 = arith.constant 9 : i32
    %scan3A_71 = arith.addi %scan3A_69, %scan3A_70 : i32
    %scan3A_72 = arith.constant 1 : i32
    %scan3A_73:2 = scf.for %scan3A_97 = %scan3A_69 to %scan3A_71 step %scan3A_72 iter_args(%scan3A_98 = %broadcast_in_dim3A_4, %scan3A_99 = %broadcast_in_dim3A_4) -> (vector<16xf32>, vector<16xf32>)  : i32 {
      %broadcast_in_dim3A_100 = arith.constant 1 : i32
      %broadcast_in_dim3A_101 = vector.broadcast %broadcast_in_dim3A_100 : i32 to vector<16xi32>
      %add3A_102 = arith.constant 64 : i32
      %add3A_103 = arith.addi %add3A_102, %scan3A_97 : i32
      %mul3A_104 = vector.broadcast %add3A_103 : i32 to vector<16xi32>
      %mul3A_105 = arith.muli %broadcast_in_dim3A_101, %mul3A_104 : vector<16xi32>
      %gather3A = tpu.vector_load_idx %arg8[%mul3A_105] : memref<80xf32, #tpu.memory_space<vmem>>[vector<16xi32>], vector<16xf32>,
      %mul3A_106 = arith.constant 32 : i32
      %mul3A_107 = arith.muli %scan3A_97, %mul3A_106 : i32
      %add3A_108 = arith.constant 3840 : i32
      %add3A_109 = arith.addi %add3A_108, %mul3A_107 : i32
      %add3A_110 = arith.constant 0 : i32
      %add3A_111 = arith.addi %add3A_109, %add3A_110 : i32
      %get3A = arith.index_cast %add3A_111 : i32 to index
      %get3A_112 = tpu.vector_load %arg6[%get3A] {strides = array<i32>} : memref<4128xf32, #tpu.memory_space<vmem>>, vector<16xf32>,
      %mul3A_113 = arith.mulf %gather3A, %get3A_112 : vector<16xf32>
      %add3A_114 = arith.addf %scan3A_98, %mul3A_113 : vector<16xf32>
      %mul3A_115 = arith.constant 32 : i32
      %mul3A_116 = arith.muli %scan3A_97, %mul3A_115 : i32
      %add3A_117 = arith.constant 3840 : i32
      %add3A_118 = arith.addi %add3A_117, %mul3A_116 : i32
      %add3A_119 = arith.constant 16 : i32
      %add3A_120 = arith.addi %add3A_118, %add3A_119 : i32
      %get3A_121 = arith.index_cast %add3A_120 : i32 to index
      %get3A_122 = tpu.vector_load %arg6[%get3A_121] {strides = array<i32>} : memref<4128xf32, #tpu.memory_space<vmem>>, vector<16xf32>,
      %mul3A_123 = arith.mulf %gather3A, %get3A_122 : vector<16xf32>
      %add3A_124 = arith.addf %scan3A_99, %mul3A_123 : vector<16xf32>
      scf.yield %add3A_114, %add3A_124 : vector<16xf32>, vector<16xf32>
    }
    %scan3A_74 = arith.constant 9 : i32
    %swap3A_75 = arith.constant 0 : index
    %swap3A_76 = tpu.vector_load %arg9[%swap3A_75] {strides = array<i32>} : memref<176xf32, #tpu.memory_space<vmem>>, vector<16xf32>,
    tpu.vector_store %arg9[%swap3A_75], %scan3A_61#0 {strides = array<i32>} : memref<176xf32, #tpu.memory_space<vmem>>, vector<16xf32>,
    %swap3A_77 = arith.constant 16 : index
    %swap3A_78 = tpu.vector_load %arg9[%swap3A_77] {strides = array<i32>} : memref<176xf32, #tpu.memory_space<vmem>>, vector<16xf32>,
    tpu.vector_store %arg9[%swap3A_77], %scan3A_61#1 {strides = array<i32>} : memref<176xf32, #tpu.memory_space<vmem>>, vector<16xf32>,
    %swap3A_79 = arith.constant 32 : index
    %swap3A_80 = tpu.vector_load %arg9[%swap3A_79] {strides = array<i32>} : memref<176xf32, #tpu.memory_space<vmem>>, vector<16xf32>,
    tpu.vector_store %arg9[%swap3A_79], %scan3A_61#2 {strides = array<i32>} : memref<176xf32, #tpu.memory_space<vmem>>, vector<16xf32>,
    %swap3A_81 = arith.constant 48 : index
    %swap3A_82 = tpu.vector_load %arg9[%swap3A_81] {strides = array<i32>} : memref<176xf32, #tpu.memory_space<vmem>>, vector<16xf32>,
    tpu.vector_store %arg9[%swap3A_81], %scan3A_61#3 {strides = array<i32>} : memref<176xf32, #tpu.memory_space<vmem>>, vector<16xf32>,
    %swap3A_83 = arith.constant 64 : index
    %swap3A_84 = tpu.vector_load %arg9[%swap3A_83] {strides = array<i32>} : memref<176xf32, #tpu.memory_space<vmem>>, vector<16xf32>,
    tpu.vector_store %arg9[%swap3A_83], %scan3A_67#0 {strides = array<i32>} : memref<176xf32, #tpu.memory_space<vmem>>, vector<16xf32>,
    %swap3A_85 = arith.constant 80 : index
    %swap3A_86 = tpu.vector_load %arg9[%swap3A_85] {strides = array<i32>} : memref<176xf32, #tpu.memory_space<vmem>>, vector<16xf32>,
    tpu.vector_store %arg9[%swap3A_85], %scan3A_67#1 {strides = array<i32>} : memref<176xf32, #tpu.memory_space<vmem>>, vector<16xf32>,
    %swap3A_87 = arith.constant 96 : index
    %swap3A_88 = tpu.vector_load %arg9[%swap3A_87] {strides = array<i32>} : memref<176xf32, #tpu.memory_space<vmem>>, vector<16xf32>,
    tpu.vector_store %arg9[%swap3A_87], %scan3A_67#2 {strides = array<i32>} : memref<176xf32, #tpu.memory_space<vmem>>, vector<16xf32>,
    %swap3A_89 = arith.constant 112 : index
    %swap3A_90 = tpu.vector_load %arg9[%swap3A_89] {strides = array<i32>} : memref<176xf32, #tpu.memory_space<vmem>>, vector<16xf32>,
    tpu.vector_store %arg9[%swap3A_89], %scan3A_67#3 {strides = array<i32>} : memref<176xf32, #tpu.memory_space<vmem>>, vector<16xf32>,
    %swap3A_91 = arith.constant 128 : index
    %swap3A_92 = tpu.vector_load %arg9[%swap3A_91] {strides = array<i32>} : memref<176xf32, #tpu.memory_space<vmem>>, vector<16xf32>,
    tpu.vector_store %arg9[%swap3A_91], %scan3A_73#0 {strides = array<i32>} : memref<176xf32, #tpu.memory_space<vmem>>, vector<16xf32>,
    %swap3A_93 = arith.constant 144 : index
    %swap3A_94 = tpu.vector_load %arg9[%swap3A_93] {strides = array<i32>} : memref<176xf32, #tpu.memory_space<vmem>>, vector<16xf32>,
    tpu.vector_store %arg9[%swap3A_93], %scan3A_73#1 {strides = array<i32>} : memref<176xf32, #tpu.memory_space<vmem>>, vector<16xf32>,
    %swap3A_95 = arith.constant 160 : index
    %swap3A_96 = tpu.vector_load %arg9[%swap3A_95] {strides = array<i32>} : memref<176xf32, #tpu.memory_space<vmem>>, vector<16xf32>,
    tpu.vector_store %arg9[%swap3A_95], %parallel_loop3A_17 {strides = array<i32>} : memref<176xf32, #tpu.memory_space<vmem>>, vector<16xf32>,
    "tpu.region"() ({
      %run_scoped3A = tpu.sem_alloc : memref<!tpu.dma_semaphore, #tpu.memory_space<semaphore_mem>>
      %dma_start3A_97 = arith.constant 0 : i32
      %dma_start3A_98 = tpu.memref_slice %arg4[%add3A, %dma_start3A_97] : memref<16x176xf32, #tpu.memory_space<hbm>> -> memref<1x176xf32, #tpu.memory_space<hbm>>
      %dma_start3A_99 = tpu.memref_squeeze %dma_start3A_98 : memref<1x176xf32, #tpu.memory_space<hbm>> -> memref<176xf32, #tpu.memory_space<hbm>>
      %dma_start3A_100 = arith.constant 0 : i32
      %dma_start3A_101 = tpu.memref_slice %arg4[%add3A, %dma_start3A_100] : memref<16x176xf32, #tpu.memory_space<hbm>> -> memref<1x176xf32, #tpu.memory_space<hbm>>
      %dma_start3A_102 = tpu.memref_squeeze %dma_start3A_101 : memref<1x176xf32, #tpu.memory_space<hbm>> -> memref<176xf32, #tpu.memory_space<hbm>>
      tpu.enqueue_dma source(%arg9 : memref<176xf32, #tpu.memory_space<vmem>>) target(%dma_start3A_102 : memref<176xf32, #tpu.memory_space<hbm>>) target_semaphore(%run_scoped3A : memref<!tpu.dma_semaphore, #tpu.memory_space<semaphore_mem>>)
      %dma_wait3A_103 = arith.constant 0 : i32
      %dma_wait3A_104 = tpu.memref_slice %arg4[%add3A, %dma_wait3A_103] : memref<16x176xf32, #tpu.memory_space<hbm>> -> memref<1x176xf32, #tpu.memory_space<hbm>>
      %dma_wait3A_105 = tpu.memref_squeeze %dma_wait3A_104 : memref<1x176xf32, #tpu.memory_space<hbm>> -> memref<176xf32, #tpu.memory_space<hbm>>
      %dma_wait3A_106 = arith.constant 0 : i32
      %dma_wait3A_107 = tpu.memref_slice %arg4[%add3A, %dma_wait3A_106] : memref<16x176xf32, #tpu.memory_space<hbm>> -> memref<1x176xf32, #tpu.memory_space<hbm>>
      %dma_wait3A_108 = tpu.memref_squeeze %dma_wait3A_107 : memref<1x176xf32, #tpu.memory_space<hbm>> -> memref<176xf32, #tpu.memory_space<hbm>>
      tpu.wait_dma2 semaphore(%run_scoped3A : memref<!tpu.dma_semaphore, #tpu.memory_space<semaphore_mem>>) src(%arg9 : memref<176xf32, #tpu.memory_space<vmem>>) dst(%dma_wait3A_108 : memref<176xf32, #tpu.memory_space<hbm>>)
      tpu.yield
    }) : () -> ()
    return
  }
}

</mosaic_0001>

<sc_bundles>
// kernel: _run.3.cloned.1.call-start
scs
__scs_entry_jumppad:
0x0: {  	(pc) =	sbr.rel $0x88, $3  }
0x1: {  	(tag) =	ssettag $0x0;
	lr =	simm.s32 $0x1  }
0x2: {  	[smem:$0x3F9F] =	sst lr;
	_ =	strace $0xD0000000  }
0x3: {  	_ = 	snop  }
0x4: {  	_ = 	snop  }
0x5: {  	_ = 	snop  }
0x6: {  	_ = 	snop  }
0x7: {  	_ = 	snop  }
__scs_overlays_trampoline_lowered:
0x8: {  	[smem:$0x3FAE] =	sst s0  }
0x9: {  	[smem:$0x3FAF] =	sst s1  }
0xa: {  	[smem:$0x3FB0] =	sst s2  }
0xb: {  	[smem:$0x3FB1] =	sst s3  }
0xc: {  	[smem:$0x3FB2] =	sst s4  }
0xd: {  	[smem:$0x3FB3] =	sst s5  }
0xe: {  	[smem:$0x3FB4] =	sst s6  }
0xf: {  	[smem:$0x3FB5] =	sst s7  }
0x10: {  	[smem:$0x3FB6] =	sst s8  }
0x11: {  	[smem:$0x3FB7] =	sst s9;
	s0 =	simm.s32 @!p0 $0x0  }
0x12: {  	s1 =	sld [smem:$0x3F9D];
	s0 =	simm.s32 @p0 $0x1  }
0x13: {  	[smem:$0x3FB8] =	sst s0;
	s0 =	simm.s32 @!p1 $0x0  }
0x14: {  	s2 =	sld [smem:$0x3F9C];
	s0 =	simm.s32 @p1 $0x1  }
0x15: {  	[smem:$0x3FB9] =	sst s0;
	s0 =	simm.s32 @!p2 $0x0  }
0x16: {  	s3 =	sld [smem:$0x3FDB];
	s0 =	simm.s32 @p2 $0x1  }
0x17: {  	s4 =	simm.s32 $0x1BF5;
	[smem:$0x3FBB] =	sst s0  }
0x18: {  	s0 =	sld [smem:$0x3F9E];
	_ =	swait.ge [sflag:s4], $0x0  }
0x19: {  	s7 =	sld [smem:$0x3F9F]  }
0x1a: {  	s8 =	sadd.s32 $0xFFFFE003, lr  }
0x1b: {  	s9 =	sadd.s32 $0xFFFFFEF7, lr;
	s5 =	simm.s32 $0xFFFFFFFF;
	p2 =	slt.u32 s8, $0xFFFFF086  }
0x1c: {  	p1 =	slt.u32 s9, $0xF7A;
	s5 =	simm.s32 @!p2 $0x0  }
0x1d: {  	s5 =	simm.s32 @p1 $0x1;
	p0 =	seq.s32 s7, s2  }
0x1e: {  	s7 =	smul.u32 @!p0 $0xF7A, s2;
	p2 =	seq.s32 @!p0 s5, $0x0  }
0x1f: {  	s9 =	smul.u32 $0xF7A, s1;
	s8 =	simm.s32 @!p0 $0x1BF5;
	p2 =	por !p2, p0  }
0x20: {  	[sflag:s8] =	ssyncset.s32 @!p0 $0xFFFFF086;
	s6 =	sadd.s32 @!p0 s3, s7;
	s7 =	simm.s32 @!p0 $0x108  }
0x21: {  	s3 =	sadd.s32 s3, s9;
	s6 =	sadd.s32 @!p0 $0x88, s6;
	s7 =	simm.s32 @p2 $0x1082  }
0x22: {  	[simem:s7], [sflag:s8] =	dma.local @!p0 [hbm:s6], $0xF7A  }
0x23: {  	s9 =	sor.u32 $0xD0000000, s2;
	s6 =	simm.s32 $0x108;
	_ =	swait.ge @!p0 [sflag:s8], $0x0  }
0x24: {  	s3 =	sadd.s32 $0x88, s3;
	s6 =	simm.s32 @!p1 $0x1082;
	[sflag:s4] =	ssyncset.s32 $0xFFFFF086  }
0x25: {  	[simem:s6], [sflag:s4] =	dma.local [hbm:s3], $0xF7A  }
0x26: {  	[smem:$0x3F9F] =	sst s1;
	(tag) =	ssettag s2;
	_ =	strace s9  }
0x27: {  	s1 =	sld [smem:$0x3FAF]  }
0x28: {  	s2 =	sld [smem:$0x3FB0]  }
0x29: {  	s4 =	sld [smem:$0x3FB2]  }
0x2a: {  	p0 =	seq.s32 s5, $0x0;
	s5 =	sld [smem:$0x3FB3]  }
0x2b: {  	s6 =	sld [smem:$0x3FB4]  }
0x2c: {  	s7 =	sld [smem:$0x3FB5]  }
0x2d: {  	s3 =	simm.s32 $0x108;
	s8 =	sld [smem:$0x3FB6]  }
0x2e: {  	s3 =	simm.s32 @!p0 $0x1082;
	s9 =	sld [smem:$0x3FB7]  }
0x2f: {  	lr =	sadd.s32 s0, s3;
	s0 =	sld [smem:$0x3FAE]  }
0x30: {  	s3 =	sld [smem:$0x3FB1]  }
0x31: {  	[smem:$0x3FBA] =	sst s10  }
0x32: {  	s10 =	sld [smem:$0x3FB8];
	_ =	sdelay $0x3  }
0x33: {  	p0 =	seq.s32 s10, $0x1;
	s10 =	sld [smem:$0x3FBA];
	_ =	sdelay $0x3  }
0x34: {  	[smem:$0x3FBA] =	sst s10  }
0x35: {  	s10 =	sld [smem:$0x3FB9];
	_ =	sdelay $0x3  }
0x36: {  	p1 =	seq.s32 s10, $0x1;
	s10 =	sld [smem:$0x3FBA];
	_ =	sdelay $0x3  }
0x37: {  	[smem:$0x3FBA] =	sst s10  }
0x38: {  	s10 =	sld [smem:$0x3FBB]  }
0x39: {  	_ = 	snop;
	(pc) =	sbr.ind lr, $3  }
0x3a: {  	_ = 	snop  }
0x3b: {  	_ = 	snop  }
0x3c: {  	p2 =	seq.s32 s10, $0x1;
	s10 =	sld [smem:$0x3FBA]  }
0x3d: {  	_ =	shalt  }
0x3e: {  	_ =	shalt  }
0x3f: {  	_ =	shalt  }
0x40: {  	_ =	shalt  }
0x41: {  	_ =	shalt  }
0x42: {  	_ =	shalt  }
0x43: {  	_ =	shalt  }
0x44: {  	_ =	shalt  }
0x45: {  	_ =	shalt  }
0x46: {  	_ =	shalt  }
0x47: {  	_ =	shalt  }
0x48: {  	_ =	shalt  }
0x49: {  	_ =	shalt  }
0x4a: {  	_ =	shalt  }
0x4b: {  	_ =	shalt  }
0x4c: {  	_ =	shalt  }
0x4d: {  	_ =	shalt  }
0x4e: {  	_ =	shalt  }
0x4f: {  	_ =	shalt  }
0x50: {  	_ =	shalt  }
0x51: {  	_ =	shalt  }
0x52: {  	_ =	shalt  }
0x53: {  	_ =	shalt  }
0x54: {  	_ =	shalt  }
0x55: {  	_ =	shalt  }
0x56: {  	_ =	shalt  }
0x57: {  	_ =	shalt  }
0x58: {  	_ =	shalt  }
0x59: {  	_ =	shalt  }
0x5a: {  	_ =	shalt  }
0x5b: {  	_ =	shalt  }
0x5c: {  	_ =	shalt  }
0x5d: {  	_ =	shalt  }
0x5e: {  	_ =	shalt  }
0x5f: {  	_ =	shalt  }
0x60: {  	_ =	shalt  }
0x61: {  	_ =	shalt  }
0x62: {  	_ =	shalt  }
0x63: {  	_ =	shalt  }
0x64: {  	_ =	shalt  }
0x65: {  	_ =	shalt  }
0x66: {  	_ =	shalt  }
0x67: {  	_ =	shalt  }
0x68: {  	_ =	shalt  }
0x69: {  	_ =	shalt  }
0x6a: {  	_ =	shalt  }
0x6b: {  	_ =	shalt  }
0x6c: {  	_ =	shalt  }
0x6d: {  	_ =	shalt  }
0x6e: {  	_ =	shalt  }
0x6f: {  	_ =	shalt  }
0x70: {  	_ =	shalt  }
0x71: {  	_ =	shalt  }
0x72: {  	_ =	shalt  }
0x73: {  	_ =	shalt  }
0x74: {  	_ =	shalt  }
0x75: {  	_ =	shalt  }
0x76: {  	_ =	shalt  }
0x77: {  	_ =	shalt  }
0x78: {  	_ =	shalt  }
0x79: {  	_ =	shalt  }
0x7a: {  	_ =	shalt  }
0x7b: {  	_ =	shalt  }
0x7c: {  	_ =	shalt  }
0x7d: {  	_ =	shalt  }
0x7e: {  	_ =	shalt  }
0x7f: {  	_ =	shalt  }
0x80: {  	_ =	shalt  }
0x81: {  	_ =	shalt  }
0x82: {  	_ =	shalt  }
0x83: {  	_ =	shalt  }
0x84: {  	_ =	shalt  }
0x85: {  	_ =	shalt  }
0x86: {  	_ =	shalt  }
0x87: {  	_ =	shalt  }
.Lfunc_end0:
.L_simem_size_0:
called_computation_lowered:
.L_overlay_start_0:
0x88: {  	s0 =	sld [smem:$0x3FD9]  }
0x89: {  	s1 =	sld [smem:$0x3FFE];
	_ =	sdelay $0x3  }
0x8a: {  	s0 =	sadd.s32 s1, s0  }
0x8b: {  	[smem:$0x3FC6] =	sst s0  }
0x8c: {  	_ = 	snop  }
0x8d: {  	s0 =	sld [smem:$0x3FC9]  }
0x8e: {  	s16 =	sld [smem:$0x3FC8];
	(tm) =	ssettm $0x1  }
0x8f: {  	s2 =	sld [smem:$0x3FFB];
	_ =	sdelay $0x3  }
0x90: {  	_ =	strace s2  }
0x91: {  	s2 =	sld [smem:$0x3FFC];
	_ =	sdelay $0x3  }
0x92: {  	_ =	strace s2  }
0x93: {  	s2 =	sld [smem:$0x3FFD];
	_ =	sdelay $0x3  }
0x94: {  	_ =	strace s2  }
0x95: {  	_ =	strace $0x8FFFFFFF  }
0x96: {  	s17 =	sld [smem:$0x3FDB];
	_ =	sdelay $0x1  }
0x97: {  	s3 =	simm.s32 $_scs_section_size  }
0x98: {  	s4 =	simm.s32 $_size__tile_overlayer_lowered;
	s5 =	simm.s32 $_tile_overlayer_lowered  }
0x99: {  	s20 =	simm.s32 $0x1BFF;
	s19 =	sshll.u32 s5, $0x1;
	s2 =	sadd.s32 s3, s17  }
0x9a: {  	s6 =	simm.s32 $0x0;
	s18 =	sshll.u32 s4, $0x1;
	s4 =	sadd.s32 s19, s2  }
0x9b: {  	[timem:s6], [sflag:s20] =	dma.local [hbm:s4], s18  }
0x9c: {  	_ =	swait.ge [sflag:s20], s18  }
0x9d: {  	s3 =	ssub.s32 $0x0, s18;
	[sflag:s20] =	ssyncset.done $0x0  }
0x9e: {  	[sflag:s20] =	ssyncadd.s32 s3;
	_ =	sdelay $0x1  }
0x9f: {  	s21 =	simm.s32 $0x1B8B  }
0xa0: {  	_ =	swait.ge [sflag:s21], $0x1  }
0xa1: {  	[sflag:s21] =	ssyncset.done $0x0  }
0xa2: {  	s23 =	simm.s32 $0x1B8E;
	s22 =	sld [smem:$0x3FFE];
	[sflag:s21] =	ssyncadd.s32 $0xFFFFFFFF  }
0xa3: {  	s24 =	simm.s32 $execute0_lowered;
	[smem:$0x3FD2] =	sst s23  }
0xa4: {  	s4 =	sshll.u32 s24, $0x1;
	_ =	strace $0x80000046;
	[dreg:$0x1] =	wrdreg $0xFFFFFFFF  }
0xa5: {  	s25 =	simm.s32 $_size_execute0_lowered;
	s2 =	sadd.s32 s2, s4;
	[dreg:$0x0] =	wrdreg $0x0  }
0xa6: {  	s4 =	sshll.u32 s25, $0x1;
	[dreg:$0x2] =	wrdreg s2  }
0xa7: {  	[dreg:$0x3] =	wrdreg s4  }
0xa8: {  	[dreg:$0x4] =	wrdreg $0xC0  }
0xa9: {  	_ =	task [dreg:s6], $0x5FFFF  }
0xaa: {  	[dreg:$0x1] =	wrdreg $0xFFFFFFFF  }
0xab: {  	[dreg:$0x0] =	wrdreg $0x60  }
0xac: {  	[dreg:$0x2] =	wrdreg s0  }
0xad: {  	[dreg:$0x3] =	wrdreg s16  }
0xae: {  	[dreg:$0x4] =	wrdreg s22  }
0xaf: {  	[dreg:$0x5] =	wrdreg $0x9  }
0xb0: {  	_ =	task.clear_ibuf [dreg:s6], $0x6FFFF;
	_ =	strace $0x90000046  }
0xb1: {  	s26 =	simm.s32 $0x9;
	_ =	strace $0x80000048  }
0xb2: {  	_ =	swait.ge [sflag:s26], $0x1  }
0xb3: {  	[sflag:s26] =	ssyncadd.s32 $0xFFFFFFFF  }
0xb4: {  	_ =	strace $0x90000048  }
0xb5: {  	_ =	sfence  }
0xb6: {  	s28 =	sld [smem:$0x0];
	_ =	sdelay $0x1  }
0xb7: {  	s29 =	srdreg.scid  }
0xb8: {  	s30 =	sshll.u32 s29, $0xD;
	s31 =	sshrl.u32 s29, $0x2  }
0xb9: {  	s1 =	sand.u32 $0x1, s29;
	s2 =	sand.u32 $0x4000, s30;
	s0 =	sadd.s32 s31, s28  }
0xba: {  	s1 =	sor.u32 s2, s1;
	s0 =	sshll.u32 s0, $0x11  }
0xbb: {  	s0 =	sor.u32 s0, s1  }
0xbc: {  	s0 =	sadd.s32 $0x8F2B, s0  }
0xbd: {  	[sflag:s0] =	ssyncadd.remote.s32 $0x1  }
0xbe: {  	_ =	sfence.sel $0xFFFF  }
0xbf: {  	[dreg:$0x0] =	wrdreg $0xFFFFFFFF;
	(pc) =	sbr.abs _section_cstart, $3  }
0xc0: {  	[dreg:$0x1] =	wrdreg $0xFFFFFFFF  }
0xc1: {  	_ =	task.clear_ibuf [dreg:s6], $0x2FFFF;
	_ =	strace $0x9FFFFFFF  }
0xc2: {  	(tm) =	ssettm $0x7FFFFFFF  }
0xc3: {  	_ =	shalt  }
tec
execute0_lowered:
.L_overlay_start_1:
0x0: {  	(tag) =	ssettag $0x1  }
0x1: {  	s3 =	rddreg [dreg:$0x0]  }
0x2: {  	s4 =	rddreg [dreg:$0x1]  }
0x3: {  	s2 =	rddreg [dreg:$0x2];
	s5 =	simm.s32 $0x0;
	s1 =	stileid.u32  }
0x4: {  	[smem:$0x7FF] =	sst s5;
	s6 =	sshll.u32 s1, $0xA  }
0x5: {  	s0 =	rddreg [dreg:$0x3];
	_ =	strace $0x80000047;
	s3 =	sadd.s32 s3, s6  }
0x6: {  	[tilespmem:s5], [sflag:$0x1] =	stream.linear.gather [hbm4b:s3+s5], $0x2000, $0x38;
	[tilespmem:$0x3700] =	vst v63  }
0x7: {  	s31 =	simm.s32 $0x2000  }
0x8: {  	[tilespmem:s31], [sflag:$0x1] =	stream.linear.gather [hbm4b:s4+s5], $0x1080, $0x38;
	[tilespmem:$0x3700] =	vst v63  }
0x9: {  	v0 =	vimm.f32 $0.0e+00;
	s3 =	simm.s32 $0x40;
	s4 =	simm.s32 $0x0  }
.LBB2_1:
0xa: {  	p0 =	sne.s32 s3, $0x13C0;
	[tilespmem:s4+$0x3080] =	vst v0;
	s4 =	smov.u32 s3;
	s3 =	sadd.s32 $0x40, s3  }
.Ltmp0:
0xb: {  	(pc) =	sbr.rel @p0 .LBB2_1-.Ltmp0, $2  }
0xc: {  	_ =	sdelay $0x2  }
0xd: {  	s4 =	sshra.s32 s4, $0x2  }
0xe: {  	[tilespmem:s4+$0x3080] =	vst v0;
	s3 =	simm.s32 $0x1  }
0xf: {  	_ =	swait.ge [sflag:s3], $0x2000  }
0x10: {  	[sflag:s3] =	ssyncset.done $0x0  }
0x11: {  	[sflag:s3] =	ssyncadd.s32 $0xFFFFE000  }
0x12: {  	_ =	swait.ge [sflag:s3], $0x1080  }
0x13: {  	s31 =	simm.s32 $0x0;
	[sflag:s3] =	ssyncset.done $0x0  }
0x14: {  	s4 =	sand.u32 $0x3C0, s31;
	[sflag:s3] =	ssyncadd.s32 $0xFFFFEF80  }
0x15: {  	v1 =	vld [tilespmem:s4+$0x400];
	_ =	sdelay $0x1  }
0x16: {  	v0 =	vlaneseq.u32  }
0x17: {  	s5 =	simm.s32 $0x1010;
	v10 =	vmul.u32 $0x50, v0  }
0x18: {  	v4 =	vld [tilespmem:s5+$0xFFFFF400]  }
0x19: {  	v2 =	vld [tilespmem:s5+$0xFFFFEFF0];
	v6 =	vadd.s32 v10, v1;
	_ =	sdelay $0x1  }
0x1a: {  	v7 =	vld [tilespmem:s5+$0xFFFFF410]  }
0x1b: {  	v3 =	vld [tilespmem:s5+$0xFFFFF000]  }
0x1c: {  	s3 =	simm.s32 $0x3080;
	v8 =	vld [tilespmem:s5+$0xFFFFF420]  }
0x1d: {  	v9 =	vadd.s32 v10, v4;
	[tilespmem:v6+s3+$0x0] =	vst.idx.add.f32.msk $0xffff, v2  }
0x1e: {  	v6 =	vld [tilespmem:s4+$0x800]  }
0x1f: {  	v1 =	vld [tilespmem:s5+$0xFFFFF010];
	v7 =	vadd.s32 v10, v7;
	_ =	sdelay $0x1  }
0x20: {  	v4 =	vld [tilespmem:s5+$0xFFFFF020];
	v12 =	vadd.s32 v10, v8  }
0x21: {  	v5 =	vadd.s32 $0x20, v10;
	[tilespmem:v9+s3+$0x0] =	vst.idx.add.f32.msk $0xffff, v3  }
0x22: {  	v9 =	vld [tilespmem:s5+$0xFFFFF800];
	v6 =	vadd.s32 v5, v6  }
0x23: {  	[tilespmem:v7+s3+$0x0] =	vst.idx.add.f32.msk $0xffff, v1  }
0x24: {  	v7 =	vld [tilespmem:s5+$0xFFFFF810]  }
0x25: {  	v8 =	vmul.f32 $2.000000030e-01, v2;
	[tilespmem:v12+s3+$0x0] =	vst.idx.add.f32.msk $0xffff, v4  }
0x26: {  	v12 =	vld [tilespmem:s5+$0xFFFFF820]  }
0x27: {  	v13 =	vadd.s32 v5, v9;
	[tilespmem:v6+s3+$0x0] =	vst.idx.add.f32.msk $0xffff, v8  }
0x28: {  	v14 =	vld [tilespmem:s4+$0xC00]  }
0x29: {  	v7 =	vadd.s32 v5, v7  }
0x2a: {  	v9 =	vmul.f32 $2.000000030e-01, v3  }
0x2b: {  	v12 =	vadd.s32 v5, v12  }
0x2c: {  	v6 =	vmul.f32 $2.000000030e-01, v1;
	[tilespmem:v13+s3+$0x0] =	vst.idx.add.f32.msk $0xffff, v9  }
0x2d: {  	v13 =	vld [tilespmem:s5+$0xFFFFFC00];
	v14 =	vadd.s32 v5, v14  }
0x2e: {  	[tilespmem:v7+s3+$0x0] =	vst.idx.add.f32.msk $0xffff, v6;
	v7 =	vmul.f32 $2.000000030e-01, v4  }
0x2f: {  	v15 =	vld [tilespmem:s5+$0xFFFFFC10]  }
0x30: {  	[tilespmem:v12+s3+$0x0] =	vst.idx.add.f32.msk $0xffff, v7  }
0x31: {  	v12 =	vld [tilespmem:s5+$0xFFFFFC20]  }
0x32: {  	v13 =	vadd.s32 v5, v13;
	[tilespmem:v14+s3+$0x0] =	vst.idx.add.f32.msk $0xffff, v8  }
0x33: {  	v14 =	vld [tilespmem:s4+$0x1000]  }
0x34: {  	v15 =	vadd.s32 v5, v15;
	_ =	sdelay $0x1  }
0x35: {  	v12 =	vadd.s32 v5, v12  }
0x36: {  	[tilespmem:v13+s3+$0x0] =	vst.idx.add.f32.msk $0xffff, v9  }
0x37: {  	v13 =	vld [tilespmem:s5+$0x0];
	v14 =	vadd.s32 v5, v14  }
0x38: {  	[tilespmem:v15+s3+$0x0] =	vst.idx.add.f32.msk $0xffff, v6  }
0x39: {  	v15 =	vld [tilespmem:s5+$0x10]  }
0x3a: {  	[tilespmem:v12+s3+$0x0] =	vst.idx.add.f32.msk $0xffff, v7  }
0x3b: {  	v12 =	vld [tilespmem:s5+$0x20]  }
0x3c: {  	v13 =	vadd.s32 v5, v13;
	[tilespmem:v14+s3+$0x0] =	vst.idx.add.f32.msk $0xffff, v8  }
0x3d: {  	v14 =	vld [tilespmem:s4+$0x1400]  }
0x3e: {  	v15 =	vadd.s32 v5, v15;
	_ =	sdelay $0x1  }
0x3f: {  	v12 =	vadd.s32 v5, v12  }
0x40: {  	[tilespmem:v13+s3+$0x0] =	vst.idx.add.f32.msk $0xffff, v9  }
0x41: {  	v13 =	vld [tilespmem:s5+$0x400];
	v16 =	vadd.s32 v5, v14  }
0x42: {  	v11 =	vimm.f32 $0.0e+00;
	[tilespmem:v15+s3+$0x0] =	vst.idx.add.f32.msk $0xffff, v6  }
0x43: {  	v11 =	vadd.f32 v2, v11;
	v15 =	vld [tilespmem:s5+$0x410]  }
0x44: {  	[tilespmem:v12+s3+$0x0] =	vst.idx.add.f32.msk $0xffff, v7  }
0x45: {  	v11 =	vadd.f32 v3, v11;
	v14 =	vld [tilespmem:s5+$0x420]  }
0x46: {  	[tilespmem:v16+s3+$0x0] =	vst.idx.add.f32.msk $0xffff, v8;
	v16 =	vadd.s32 v5, v13  }
0x47: {  	v11 =	vadd.f32 v1, v11  }
0x48: {  	s8 =	simm.s32 $0x40;
	v15 =	vadd.s32 v5, v15;
	v13 =	vld [tilespmem:s4+$0x1800]  }
0x49: {  	s9 =	simm.s32 $0x4;
	s6 =	simm.s32 $0x1010;
	s7 =	sand.u32 $0x3C0, s8;
	v0 =	vadd.s32 $0x40, v10;
	v11 =	vadd.f32 v4, v11  }
.LBB2_3:
0x4a: {  	s9 =	sadd.s32 $0x4, s9;
	v12 =	vld [tilespmem:s7+$0x400];
	v14 =	vadd.s32 v5, v14  }
0x4b: {  	p0 =	slt.u32 s9, $0x3C;
	[tilespmem:v16+s3+$0x0] =	vst.idx.add.f32.msk $0xffff, v9  }
0x4c: {  	v16 =	vld [tilespmem:s5+$0x800]  }
0x4d: {  	v17 =	vadd.s32 v5, v13;
	[tilespmem:v15+s3+$0x0] =	vst.idx.add.f32.msk $0xffff, v6  }
0x4e: {  	v13 =	vld [tilespmem:s5+$0x810]  }
0x4f: {  	s5 =	sadd.s32 $0x40, s5;
	[tilespmem:v14+s3+$0x0] =	vst.idx.add.f32.msk $0xffff, v7  }
0x50: {  	v14 =	vld [tilespmem:s5+$0xFFFFEFF0]  }
0x51: {  	v15 =	vld [tilespmem:s5+$0xFFFFF400];
	v16 =	vadd.s32 v5, v16  }
0x52: {  	v18 =	vadd.s32 v10, v12;
	v19 =	vld [tilespmem:s5+$0xFFFFF000]  }
0x53: {  	v20 =	vld [tilespmem:s5+$0xFFFFF410];
	v21 =	vadd.s32 v5, v13  }
0x54: {  	v13 =	vld [tilespmem:s5+$0xFFFFF010]  }
0x55: {  	v22 =	vmul.f32 $2.000000030e-01, v14;
	v11 =	vadd.f32 v14, v11;
	v23 =	vld [tilespmem:s5+$0xFFFFF420]  }
0x56: {  	v15 =	vadd.s32 v10, v15;
	v12 =	vld [tilespmem:s5+$0xFFFFF020]  }
0x57: {  	[tilespmem:v18+s3+$0x0] =	vst.idx.add.f32.msk $0xffff, v14;
	v18 =	vmul.f32 $2.000000030e-01, v19;
	v11 =	vadd.f32 v19, v11  }
0x58: {  	v24 =	vld [tilespmem:s7+$0x800];
	v20 =	vadd.s32 v10, v20  }
0x59: {  	v25 =	vmul.f32 $2.000000030e-01, v13;
	v11 =	vadd.f32 v13, v11;
	v26 =	vld [tilespmem:s6+$0x820]  }
0x5a: {  	v23 =	vadd.s32 v10, v23;
	[tilespmem:v17+s3+$0x0] =	vst.idx.add.f32.msk $0xffff, v8;
	v8 =	vmov v22  }
0x5b: {  	[tilespmem:v15+s3+$0x0] =	vst.idx.add.f32.msk $0xffff, v19;
	v15 =	vmul.f32 $2.000000030e-01, v12;
	v11 =	vadd.f32 v12, v11  }
0x5c: {  	v17 =	vld [tilespmem:s5+$0xFFFFF800]  }
0x5d: {  	v22 =	vadd.s32 v5, v24;
	[tilespmem:v20+s3+$0x0] =	vst.idx.add.f32.msk $0xffff, v13  }
0x5e: {  	v20 =	vld [tilespmem:s5+$0xFFFFF810];
	v24 =	vadd.s32 v5, v26  }
0x5f: {  	[tilespmem:v23+s3+$0x0] =	vst.idx.add.f32.msk $0xffff, v12  }
0x60: {  	v23 =	vld [tilespmem:s5+$0xFFFFF820]  }
0x61: {  	v17 =	vadd.s32 v5, v17;
	[tilespmem:v16+s3+$0x0] =	vst.idx.add.f32.msk $0xffff, v9;
	v9 =	vmov v18  }
0x62: {  	[tilespmem:v22+s3+$0x0] =	vst.idx.add.f32.msk $0xffff, v8  }
0x63: {  	v16 =	vld [tilespmem:s7+$0xC00];
	v18 =	vadd.s32 v5, v20  }
0x64: {  	[tilespmem:v21+s3+$0x0] =	vst.idx.add.f32.msk $0xffff, v6;
	v6 =	vmov v25  }
0x65: {  	v20 =	vadd.s32 v5, v23;
	[tilespmem:v24+s3+$0x0] =	vst.idx.add.f32.msk $0xffff, v7;
	v7 =	vmov v15  }
0x66: {  	[tilespmem:v17+s3+$0x0] =	vst.idx.add.f32.msk $0xffff, v9  }
0x67: {  	v15 =	vld [tilespmem:s5+$0xFFFFFC00]  }
0x68: {  	v16 =	vadd.s32 v5, v16;
	[tilespmem:v18+s3+$0x0] =	vst.idx.add.f32.msk $0xffff, v6  }
0x69: {  	v17 =	vld [tilespmem:s5+$0xFFFFFC10]  }
0x6a: {  	[tilespmem:v20+s3+$0x0] =	vst.idx.add.f32.msk $0xffff, v7  }
0x6b: {  	v18 =	vld [tilespmem:s5+$0xFFFFFC20]  }
0x6c: {  	v15 =	vadd.s32 v5, v15;
	v20 =	vld [tilespmem:s4+$0x1C00];
	s4 =	smov.u32 s7  }
0x6d: {  	[tilespmem:v16+s3+$0x0] =	vst.idx.add.f32.msk $0xffff, v8  }
0x6e: {  	v16 =	vld [tilespmem:s4+$0x1000];
	v17 =	vadd.s32 v5, v17  }
0x6f: {  	v21 =	vld [tilespmem:s6+$0xC00]  }
0x70: {  	v18 =	vadd.s32 v5, v18;
	v22 =	vld [tilespmem:s6+$0xC10]  }
0x71: {  	[tilespmem:v15+s3+$0x0] =	vst.idx.add.f32.msk $0xffff, v9;
	v15 =	vadd.s32 v0, v20  }
0x72: {  	v20 =	vld [tilespmem:s5+$0x0]  }
0x73: {  	v16 =	vadd.s32 v5, v16;
	[tilespmem:v17+s3+$0x0] =	vst.idx.add.f32.msk $0xffff, v6  }
0x74: {  	v17 =	vld [tilespmem:s5+$0x10];
	v21 =	vadd.s32 v0, v21  }
0x75: {  	[tilespmem:v18+s3+$0x0] =	vst.idx.add.f32.msk $0xffff, v7;
	v18 =	vadd.s32 v0, v22  }
0x76: {  	v22 =	vld [tilespmem:s5+$0x20]  }
0x77: {  	v20 =	vadd.s32 v5, v20;
	v23 =	vld [tilespmem:s6+$0xC20];
	s6 =	smov.u32 s5  }
0x78: {  	[tilespmem:v16+s3+$0x0] =	vst.idx.add.f32.msk $0xffff, v8  }
0x79: {  	v16 =	vld [tilespmem:s4+$0x1400];
	v17 =	vadd.s32 v5, v17  }
0x7a: {  	[tilespmem:v15+s3+$0x0] =	vst.idx.add.f32.msk $0xffff, v2;
	v2 =	vmov v14  }
0x7b: {  	v14 =	vadd.s32 v5, v22;
	[tilespmem:v21+s3+$0x0] =	vst.idx.add.f32.msk $0xffff, v3;
	v3 =	vmov v19  }
0x7c: {  	[tilespmem:v20+s3+$0x0] =	vst.idx.add.f32.msk $0xffff, v9;
	v19 =	vadd.s32 v0, v23  }
0x7d: {  	v15 =	vld [tilespmem:s5+$0x400]  }
0x7e: {  	v20 =	vadd.s32 v5, v16;
	[tilespmem:v17+s3+$0x0] =	vst.idx.add.f32.msk $0xffff, v6  }
0x7f: {  	v17 =	vld [tilespmem:s5+$0x410]  }
0x80: {  	[tilespmem:v14+s3+$0x0] =	vst.idx.add.f32.msk $0xffff, v7  }
.Ltmp1:
0x81: {  	v14 =	vld [tilespmem:s5+$0x420];
	(pc) =	sbr.rel @p0 .LBB2_3-.Ltmp1, $4  }
0x82: {  	v16 =	vadd.s32 v5, v15;
	[tilespmem:v18+s3+$0x0] =	vst.idx.add.f32.msk $0xffff, v1;
	v1 =	vmov v13  }
0x83: {  	[tilespmem:v20+s3+$0x0] =	vst.idx.add.f32.msk $0xffff, v8  }
0x84: {  	s8 =	sadd.s32 $0x40, s8;
	v13 =	vld [tilespmem:s4+$0x1800];
	v15 =	vadd.s32 v5, v17  }
0x85: {  	s7 =	sand.u32 $0x3C0, s8;
	[tilespmem:v19+s3+$0x0] =	vst.idx.add.f32.msk $0xffff, v4;
	v4 =	vmov v12  }
0x86: {  	v12 =	vld [tilespmem:s7+$0x400]  }
0x87: {  	s8 =	sadd.s32 $0x40, s5  }
0x88: {  	v17 =	vld [tilespmem:s8+$0xFFFFF400]  }
0x89: {  	v18 =	vld [tilespmem:s8+$0xFFFFF410]  }
0x8a: {  	v20 =	vld [tilespmem:s8+$0xFFFFF420]  }
0x8b: {  	v19 =	vld [tilespmem:s8+$0xFFFFEFF0];
	v12 =	vadd.s32 v10, v12;
	_ =	sdelay $0x1  }
0x8c: {  	v21 =	vld [tilespmem:s8+$0xFFFFF000];
	v17 =	vadd.s32 v10, v17  }
0x8d: {  	v22 =	vld [tilespmem:s8+$0xFFFFF010];
	v18 =	vadd.s32 v10, v18  }
0x8e: {  	v23 =	vld [tilespmem:s8+$0xFFFFF020];
	v10 =	vadd.s32 v10, v20  }
0x8f: {  	[tilespmem:v12+s3+$0x0] =	vst.idx.add.f32.msk $0xffff, v19  }
0x90: {  	v12 =	vld [tilespmem:s7+$0x800]  }
0x91: {  	[tilespmem:v17+s3+$0x0] =	vst.idx.add.f32.msk $0xffff, v21  }
0x92: {  	[tilespmem:v18+s3+$0x0] =	vst.idx.add.f32.msk $0xffff, v22  }
0x93: {  	[tilespmem:v10+s3+$0x0] =	vst.idx.add.f32.msk $0xffff, v23  }
0x94: {  	v17 =	vld [tilespmem:s8+$0xFFFFF800]  }
0x95: {  	v18 =	vld [tilespmem:s8+$0xFFFFF810]  }
0x96: {  	v10 =	vld [tilespmem:s8+$0xFFFFF820]  }
0x97: {  	v12 =	vadd.s32 v5, v12;
	_ =	sdelay $0x1  }
0x98: {  	v17 =	vadd.s32 v5, v17  }
0x99: {  	v63 =	vmul.f32 $2.000000030e-01, v19;
	v18 =	vadd.s32 v5, v18  }
0x9a: {  	v10 =	vadd.s32 v5, v10  }
0x9b: {  	v24 =	vmul.f32 $2.000000030e-01, v21;
	[tilespmem:v12+s3+$0x0] =	vst.idx.add.f32.msk $0xffff, v63  }
0x9c: {  	v25 =	vmul.f32 $2.000000030e-01, v22;
	v12 =	vld [tilespmem:s7+$0xC00]  }
0x9d: {  	v26 =	vmul.f32 $2.000000030e-01, v23;
	[tilespmem:v17+s3+$0x0] =	vst.idx.add.f32.msk $0xffff, v24  }
0x9e: {  	[tilespmem:v18+s3+$0x0] =	vst.idx.add.f32.msk $0xffff, v25  }
0x9f: {  	[tilespmem:v10+s3+$0x0] =	vst.idx.add.f32.msk $0xffff, v26  }
0xa0: {  	v17 =	vld [tilespmem:s8+$0xFFFFFC00]  }
0xa1: {  	v18 =	vld [tilespmem:s8+$0xFFFFFC10]  }
0xa2: {  	v10 =	vld [tilespmem:s8+$0xFFFFFC20]  }
0xa3: {  	v12 =	vadd.s32 v5, v12;
	_ =	sdelay $0x1  }
0xa4: {  	v17 =	vadd.s32 v5, v17  }
0xa5: {  	v18 =	vadd.s32 v5, v18  }
0xa6: {  	v10 =	vadd.s32 v5, v10  }
0xa7: {  	[tilespmem:v12+s3+$0x0] =	vst.idx.add.f32.msk $0xffff, v63  }
0xa8: {  	v12 =	vld [tilespmem:s7+$0x1000]  }
0xa9: {  	[tilespmem:v17+s3+$0x0] =	vst.idx.add.f32.msk $0xffff, v24  }
0xaa: {  	[tilespmem:v18+s3+$0x0] =	vst.idx.add.f32.msk $0xffff, v25  }
0xab: {  	[tilespmem:v10+s3+$0x0] =	vst.idx.add.f32.msk $0xffff, v26  }
0xac: {  	v17 =	vld [tilespmem:s8+$0x0]  }
0xad: {  	v18 =	vld [tilespmem:s8+$0x10]  }
0xae: {  	v10 =	vld [tilespmem:s8+$0x20]  }
0xaf: {  	v12 =	vadd.s32 v5, v12;
	_ =	sdelay $0x1  }
0xb0: {  	[tilespmem:v16+s3+$0x0] =	vst.idx.add.f32.msk $0xffff, v9;
	v27 =	vadd.s32 v5, v17  }
0xb1: {  	[tilespmem:v15+s3+$0x0] =	vst.idx.add.f32.msk $0xffff, v6;
	v29 =	vadd.s32 v5, v18  }
0xb2: {  	v16 =	vld [tilespmem:s5+$0x800];
	v10 =	vadd.s32 v5, v10  }
0xb3: {  	[tilespmem:v12+s3+$0x0] =	vst.idx.add.f32.msk $0xffff, v63  }
0xb4: {  	v12 =	vld [tilespmem:s7+$0x1400]  }
0xb5: {  	[tilespmem:v27+s3+$0x0] =	vst.idx.add.f32.msk $0xffff, v24  }
0xb6: {  	[tilespmem:v29+s3+$0x0] =	vst.idx.add.f32.msk $0xffff, v25  }
0xb7: {  	v14 =	vadd.s32 v5, v14;
	[tilespmem:v10+s3+$0x0] =	vst.idx.add.f32.msk $0xffff, v26  }
0xb8: {  	v15 =	vld [tilespmem:s8+$0x400]  }
0xb9: {  	v13 =	vadd.s32 v5, v13;
	v31 =	vld [tilespmem:s8+$0x410]  }
0xba: {  	v30 =	vadd.s32 v5, v16;
	v10 =	vld [tilespmem:s8+$0x420]  }
0xbb: {  	v28 =	vld [tilespmem:s5+$0x810];
	v12 =	vadd.s32 v5, v12  }
0xbc: {  	[tilespmem:v14+s3+$0x0] =	vst.idx.add.f32.msk $0xffff, v7  }
0xbd: {  	v32 =	vld [tilespmem:s6+$0x820];
	v15 =	vadd.s32 v5, v15  }
0xbe: {  	[tilespmem:v13+s3+$0x0] =	vst.idx.add.f32.msk $0xffff, v8;
	v8 =	vadd.s32 v5, v31  }
0xbf: {  	[tilespmem:v30+s3+$0x0] =	vst.idx.add.f32.msk $0xffff, v9;
	v10 =	vadd.s32 v5, v10  }
0xc0: {  	[tilespmem:v12+s3+$0x0] =	vst.idx.add.f32.msk $0xffff, v63  }
0xc1: {  	v9 =	vld [tilespmem:s7+$0x1800]  }
0xc2: {  	[tilespmem:v15+s3+$0x0] =	vst.idx.add.f32.msk $0xffff, v24  }
0xc3: {  	v33 =	vadd.s32 v5, v28;
	[tilespmem:v8+s3+$0x0] =	vst.idx.add.f32.msk $0xffff, v25  }
0xc4: {  	[tilespmem:v10+s3+$0x0] =	vst.idx.add.f32.msk $0xffff, v26  }
0xc5: {  	v34 =	vld [tilespmem:s8+$0x800]  }
0xc6: {  	v35 =	vadd.s32 v5, v32;
	v8 =	vld [tilespmem:s8+$0x810]  }
0xc7: {  	v10 =	vld [tilespmem:s8+$0x820]  }
0xc8: {  	[tilespmem:v33+s3+$0x0] =	vst.idx.add.f32.msk $0xffff, v6  }
0xc9: {  	v36 =	vld [tilespmem:s6+$0xC00];
	v6 =	vadd.s32 v5, v9  }
0xca: {  	v37 =	vld [tilespmem:s6+$0xC10];
	v9 =	vadd.s32 v5, v34  }
0xcb: {  	[tilespmem:v35+s3+$0x0] =	vst.idx.add.f32.msk $0xffff, v7;
	v8 =	vadd.s32 v5, v8  }
0xcc: {  	v7 =	vld [tilespmem:s4+$0x1C00];
	v5 =	vadd.s32 v5, v10  }
0xcd: {  	v10 =	vld [tilespmem:s6+$0xC20]  }
0xce: {  	[tilespmem:v6+s3+$0x0] =	vst.idx.add.f32.msk $0xffff, v63  }
0xcf: {  	[tilespmem:v9+s3+$0x0] =	vst.idx.add.f32.msk $0xffff, v24  }
0xd0: {  	[tilespmem:v8+s3+$0x0] =	vst.idx.add.f32.msk $0xffff, v25  }
0xd1: {  	[tilespmem:v5+s3+$0x0] =	vst.idx.add.f32.msk $0xffff, v26  }
0xd2: {  	v5 =	vld [tilespmem:s7+$0x1C00]  }
0xd3: {  	v6 =	vadd.s32 v0, v7;
	v7 =	vld [tilespmem:s8+$0xC00]  }
0xd4: {  	v8 =	vadd.s32 v0, v36;
	v9 =	vld [tilespmem:s8+$0xC10]  }
0xd5: {  	v38 =	vadd.s32 v0, v37;
	v39 =	vld [tilespmem:s8+$0xC20]  }
0xd6: {  	v10 =	vadd.s32 v0, v10  }
0xd7: {  	v5 =	vadd.s32 v0, v5  }
0xd8: {  	[tilespmem:v6+s3+$0x0] =	vst.idx.add.f32.msk $0xffff, v2;
	v2 =	vadd.s32 v0, v7  }
0xd9: {  	[tilespmem:v8+s3+$0x0] =	vst.idx.add.f32.msk $0xffff, v3;
	v3 =	vadd.s32 v0, v9  }
0xda: {  	[tilespmem:v38+s3+$0x0] =	vst.idx.add.f32.msk $0xffff, v1;
	v1 =	vadd.s32 v0, v39  }
0xdb: {  	[tilespmem:v10+s3+$0x0] =	vst.idx.add.f32.msk $0xffff, v4  }
0xdc: {  	[tilespmem:v5+s3+$0x0] =	vst.idx.add.f32.msk $0xffff, v19  }
0xdd: {  	[tilespmem:v2+s3+$0x0] =	vst.idx.add.f32.msk $0xffff, v21  }
0xde: {  	[tilespmem:v3+s3+$0x0] =	vst.idx.add.f32.msk $0xffff, v22  }
0xdf: {  	[tilespmem:v1+s3+$0x0] =	vst.idx.add.f32.msk $0xffff, v23  }
0xe0: {  	v1 =	vld [tilespmem:$0x3080]  }
0xe1: {  	v2 =	vld [tilespmem:$0x30D0]  }
0xe2: {  	v3 =	vld [tilespmem:$0x3120]  }
0xe3: {  	v6 =	vadd.f32 v19, v11;
	v4 =	vld [tilespmem:$0x3170]  }
0xe4: {  	v5 =	vld [tilespmem:$0x31C0]  }
0xe5: {  	v0 =	vadd.f32 v21, v6;
	v6 =	vld [tilespmem:$0x3210]  }
0xe6: {  	v7 =	vld [tilespmem:$0x3260]  }
0xe7: {  	v8 =	vld [tilespmem:$0x32B0]  }
0xe8: {  	v9 =	vld [tilespmem:$0x3300]  }
0xe9: {  	v10 =	vld [tilespmem:$0x3350]  }
0xea: {  	v11 =	vld [tilespmem:$0x33A0]  }
0xeb: {  	v12 =	vld [tilespmem:$0x33F0]  }
0xec: {  	v40 =	vld [tilespmem:$0x3440]  }
0xed: {  	v14 =	vld [tilespmem:$0x3490]  }
0xee: {  	v15 =	vld [tilespmem:$0x34E0]  }
0xef: {  	v41 =	vld [tilespmem:$0x3530]  }
0xf0: {  	v42 =	vld [tilespmem:$0x3090]  }
0xf1: {  	v43 =	vld [tilespmem:$0x30E0]  }
0xf2: {  	v19 =	vld [tilespmem:$0x3130]  }
0xf3: {  	v20 =	vld [tilespmem:$0x3180]  }
0xf4: {  	v0 =	vadd.f32 v22, v0;
	v21 =	vld [tilespmem:$0x31D0]  }
0xf5: {  	v22 =	vld [tilespmem:$0x3220]  }
0xf6: {  	v0 =	vadd.f32 v23, v0;
	v23 =	vld [tilespmem:$0x3270]  }
0xf7: {  	v24 =	vld [tilespmem:$0x32C0]  }
0xf8: {  	v25 =	vld [tilespmem:$0x3360];
	v1 =	vadd.f32 $0.0e+00, v1  }
0xf9: {  	v26 =	vld [tilespmem:$0x3400]  }
0xfa: {  	v27 =	vld [tilespmem:$0x34A0];
	v1 =	vadd.f32 v2, v1  }
0xfb: {  	v28 =	vld [tilespmem:$0x3540]  }
0xfc: {  	v29 =	vld [tilespmem:$0x30F0];
	v1 =	vadd.f32 v3, v1  }
0xfd: {  	v30 =	vld [tilespmem:$0x3190]  }
0xfe: {  	v31 =	vld [tilespmem:$0x3230];
	v1 =	vadd.f32 v4, v1  }
0xff: {  	v32 =	vld [tilespmem:$0x32D0]  }
0x100: {  	v33 =	vld [tilespmem:$0x3370];
	v1 =	vadd.f32 v5, v1  }
0x101: {  	v34 =	vld [tilespmem:$0x3410]  }
0x102: {  	v44 =	vld [tilespmem:$0x3460];
	v1 =	vadd.f32 v6, v1  }
0x103: {  	v46 =	vld [tilespmem:$0x30B0]  }
0x104: {  	v37 =	vld [tilespmem:$0x30C0];
	v1 =	vadd.f32 v7, v1  }
0x105: {  	v47 =	vld [tilespmem:$0x3100]  }
0x106: {  	v38 =	vld [tilespmem:$0x3110];
	v1 =	vadd.f32 v8, v1  }
0x107: {  	v48 =	vld [tilespmem:$0x3150]  }
0x108: {  	v49 =	vld [tilespmem:$0x3160];
	v1 =	vadd.f32 v9, v1  }
0x109: {  	v50 =	vld [tilespmem:$0x31A0]  }
0x10a: {  	v6 =	vld [tilespmem:$0x30A0];
	v1 =	vadd.f32 v10, v1  }
0x10b: {  	v51 =	vld [tilespmem:$0x31B0]  }
0x10c: {  	v52 =	vld [tilespmem:$0x31F0];
	v1 =	vadd.f32 v11, v1  }
0x10d: {  	v53 =	vld [tilespmem:$0x3200]  }
0x10e: {  	v54 =	vld [tilespmem:$0x3240];
	v1 =	vadd.f32 v12, v1  }
0x10f: {  	v17 =	vadd.f32 $0.0e+00, v42;
	v7 =	vld [tilespmem:$0x3140];
	v6 =	vadd.f32 $0.0e+00, v6  }
0x110: {  	v55 =	vld [tilespmem:$0x3250];
	v1 =	vadd.f32 v40, v1  }
0x111: {  	v57 =	vld [tilespmem:$0x32A0];
	v17 =	vadd.f32 v43, v17;
	v6 =	vadd.f32 v29, v6  }
0x112: {  	v58 =	vld [tilespmem:$0x32E0];
	v1 =	vadd.f32 v14, v1;
	v14 =	vadd.f32 $0.0e+00, v46  }
0x113: {  	v37 =	vadd.f32 $0.0e+00, v37;
	v17 =	vadd.f32 v19, v17;
	v8 =	vld [tilespmem:$0x31E0]  }
0x114: {  	v59 =	vld [tilespmem:$0x32F0];
	v6 =	vadd.f32 v7, v6;
	v14 =	vadd.f32 v47, v14  }
0x115: {  	v60 =	vld [tilespmem:$0x3340];
	v17 =	vadd.f32 v20, v17;
	v7 =	vadd.f32 v38, v37  }
0x116: {  	v61 =	vld [tilespmem:$0x3380];
	v6 =	vadd.f32 v30, v6;
	v14 =	vadd.f32 v48, v14  }
0x117: {  	v62 =	vld [tilespmem:$0x3390];
	v17 =	vadd.f32 v21, v17;
	v7 =	vadd.f32 v49, v7  }
0x118: {  	v9 =	vld [tilespmem:$0x3280];
	v6 =	vadd.f32 v8, v6;
	v14 =	vadd.f32 v50, v14  }
0x119: {  	v56 =	vadd.f32 v22, v17;
	v7 =	vadd.f32 v51, v7;
	v8 =	vld [tilespmem:$0x3290]  }
0x11a: {  	v63 =	vld [tilespmem:$0x3420];
	v6 =	vadd.f32 v31, v6;
	v14 =	vadd.f32 v52, v14  }
0x11b: {  	v2 =	vld [tilespmem:$0x3310];
	v7 =	vadd.f32 v53, v7;
	v1 =	vadd.f32 v15, v1  }
0x11c: {  	v10 =	vld [tilespmem:$0x3320];
	v15 =	vadd.f32 v23, v56;
	v14 =	vadd.f32 v54, v14  }
0x11d: {  	v6 =	vadd.f32 v9, v6;
	v7 =	vadd.f32 v55, v7;
	v9 =	vld [tilespmem:$0x3330]  }
0x11e: {  	v3 =	vld [tilespmem:$0x33B0];
	v15 =	vadd.f32 v24, v15;
	v8 =	vadd.f32 v8, v14  }
0x11f: {  	v4 =	vld [tilespmem:$0x3450];
	v6 =	vadd.f32 v32, v6;
	v7 =	vadd.f32 v57, v7  }
0x120: {  	v11 =	vld [tilespmem:$0x33C0];
	v2 =	vadd.f32 v2, v15;
	v8 =	vadd.f32 v58, v8  }
0x121: {  	v6 =	vadd.f32 v10, v6;
	v7 =	vadd.f32 v59, v7;
	v10 =	vld [tilespmem:$0x33D0]  }
0x122: {  	v2 =	vadd.f32 v25, v2;
	v8 =	vadd.f32 v9, v8;
	v9 =	vld [tilespmem:$0x33E0]  }
0x123: {  	v5 =	vld [tilespmem:$0x34F0];
	v6 =	vadd.f32 v33, v6;
	v7 =	vadd.f32 v60, v7  }
0x124: {  	v2 =	vadd.f32 v3, v2;
	v3 =	vadd.f32 v61, v8;
	v8 =	vld [tilespmem:$0x3430]  }
0x125: {  	v6 =	vadd.f32 v11, v6;
	v7 =	vadd.f32 v62, v7;
	v11 =	vld [tilespmem:$0x3470]  }
0x126: {  	v2 =	vadd.f32 v26, v2;
	v3 =	vadd.f32 v10, v3;
	v10 =	vld [tilespmem:$0x3480]  }
0x127: {  	v7 =	vadd.f32 v9, v7;
	v9 =	vld [tilespmem:$0x34C0]  }
0x128: {  	v35 =	vld [tilespmem:$0x34B0];
	v2 =	vadd.f32 v4, v2;
	v3 =	vadd.f32 v63, v3  }
0x129: {  	v7 =	vadd.f32 v8, v7;
	v8 =	vld [tilespmem:$0x3510]  }
0x12a: {  	v4 =	vld [tilespmem:$0x34D0];
	v2 =	vadd.f32 v27, v2;
	v3 =	vadd.f32 v11, v3  }
0x12b: {  	v6 =	vadd.f32 v34, v6;
	v7 =	vadd.f32 v10, v7;
	v10 =	vld [tilespmem:$0x3560]  }
0x12c: {  	v45 =	vld [tilespmem:$0x3500];
	v2 =	vadd.f32 v5, v2;
	v3 =	vadd.f32 v9, v3  }
0x12d: {  	v6 =	vadd.f32 v44, v6;
	v11 =	vld [tilespmem:$0x3520]  }
0x12e: {  	v36 =	vld [tilespmem:$0x3550];
	v2 =	vadd.f32 v28, v2;
	v3 =	vadd.f32 v8, v3  }
0x12f: {  	v6 =	vadd.f32 v35, v6;
	v5 =	vld [tilespmem:$0x3570]  }
0x130: {  	[tilespmem:$0x3590] =	vst v2;
	v4 =	vadd.f32 v4, v7;
	v2 =	vadd.f32 v10, v3  }
0x131: {  	s29 =	simm.s32 $0x0;
	v1 =	vadd.f32 v41, v1;
	v6 =	vadd.f32 v45, v6  }
0x132: {  	v4 =	vadd.f32 v11, v4;
	[tilespmem:$0x35B0] =	vst v2;
	v2 =	vmov s29  }
0x133: {  	[tilespmem:$0x3580] =	vst v1;
	v1 =	vadd.f32 v36, v6  }
0x134: {  	v3 =	vadd.f32 v5, v4  }
0x135: {  	[tilespmem:$0x35A0] =	vst v1  }
0x136: {  	s3 =	simm.s32 $0x3580;
	[tilespmem:$0x35C0] =	vst v3  }
0x137: {  	s30 =	simm.s32 $0x2020;
	s31 =	simm.s32 $0x1;
	v6 =	vld.idx.msk [tilespmem:v2+s3+$0x0], $0xffff  }
0x138: {  	v3 =	vmov s31;
	v2 =	vld [tilespmem:s30+$0x10]  }
0x139: {  	v5 =	vld [tilespmem:s30+$0xFFFFFFE0]  }
0x13a: {  	v9 =	vld [tilespmem:s30+$0xFFFFFFF0]  }
0x13b: {  	v4 =	vld [tilespmem:s30+$0x0]  }
0x13c: {  	v1 =	vimm.f32 $0.0e+00;
	v7 =	vimm.f32 $0.0e+00  }
0x13d: {  	s5 =	simm.s32 $0x2;
	s4 =	simm.s32 $0x2060;
	v8 =	vimm.f32 $0.0e+00;
	v10 =	vmul.f32 v2, v6;
	v2 =	vld.idx.msk [tilespmem:v3+s3+$0x0], $0xffff;
	v3 =	vimm.f32 $0.0e+00  }
.LBB2_5:
0x13e: {  	v11 =	vmov s5;
	p0 =	sne.s32 s5, $0x1D;
	s5 =	sadd.s32 $0x1, s5;
	v12 =	vld [tilespmem:s4+$0x10];
	v13 =	vmul.f32 v5, v6  }
.Ltmp2:
0x13f: {  	v5 =	vld [tilespmem:s4+$0xFFFFFFE0];
	v14 =	vmul.f32 v9, v6;
	v1 =	vadd.f32 v10, v1;
	(pc) =	sbr.rel @p0 .LBB2_5-.Ltmp2, $4  }
0x140: {  	v9 =	vld [tilespmem:s4+$0xFFFFFFF0];
	v8 =	vadd.f32 v13, v8;
	v13 =	vmul.f32 v4, v6  }
0x141: {  	v4 =	vld [tilespmem:s4+$0x0];
	v7 =	vadd.f32 v14, v7  }
0x142: {  	v3 =	vadd.f32 v13, v3  }
0x143: {  	s4 =	sadd.s32 $0x40, s4;
	v6 =	vmov v2;
	v10 =	vmul.f32 v12, v2;
	v2 =	vld.idx.msk [tilespmem:v11+s3+$0x0], $0xffff  }
0x144: {  	v11 =	vld [tilespmem:s4+$0x10]  }
0x145: {  	s3 =	simm.s32 $0x20;
	v13 =	vld [tilespmem:s4+$0xFFFFFFE0]  }
0x146: {  	v14 =	vld [tilespmem:s4+$0xFFFFFFF0];
	v12 =	vmov s3  }
0x147: {  	v15 =	vld [tilespmem:s4+$0x0];
	v16 =	vmul.f32 v5, v6;
	v9 =	vmul.f32 v9, v6  }
0x148: {  	s28 =	simm.s32 $0x0;
	s5 =	simm.s32 $0x27B0;
	v1 =	vadd.f32 v10, v1  }
0x149: {  	s30 =	simm.s32 $0x21;
	s29 =	sand.u32 $0x7C0, s28;
	v10 =	vld [tilespmem:s5+$0x0];
	v8 =	vadd.f32 v16, v8;
	v4 =	vmul.f32 v4, v6;
	v6 =	vadd.f32 v9, v7  }
0x14a: {  	s3 =	simm.s32 $0x3580;
	v17 =	vld [tilespmem:s29+$0x2780];
	v7 =	vmul.f32 v11, v2;
	v9 =	vmul.f32 v13, v2;
	v11 =	vmov s30  }
0x14b: {  	v4 =	vadd.f32 v4, v3;
	v5 =	vld.idx.msk [tilespmem:v12+s3+$0x0], $0xffff  }
0x14c: {  	s4 =	simm.s32 $0x40;
	v3 =	vmul.f32 v14, v2;
	v12 =	vmul.f32 v15, v2;
	v2 =	vadd.f32 v9, v8;
	v8 =	vld [tilespmem:s5+$0xFFFFFFE0]  }
0x14d: {  	s31 =	sand.u32 $0x7C0, s4;
	v9 =	vld [tilespmem:s5+$0xFFFFFFF0]  }
0x14e: {  	v13 =	vimm.f32 $0.0e+00;
	v1 =	vadd.f32 v7, v1;
	v3 =	vadd.f32 v3, v6;
	v7 =	vld [tilespmem:s31+$0x2780]  }
0x14f: {  	v4 =	vadd.f32 v12, v4;
	v12 =	vimm.f32 $0.0e+00;
	v6 =	vld.idx.msk [tilespmem:v11+s3+$0x0], $0xffff;
	v11 =	vimm.f32 $0.0e+00  }
0x150: {  	s6 =	simm.s32 $0x22;
	s5 =	simm.s32 $0x27F0;
	v15 =	vmul.f32 v17, v5;
	v14 =	vmul.f32 v10, v5;
	v10 =	vimm.f32 $0.0e+00  }
.LBB2_7:
0x151: {  	v16 =	vmov s6;
	p0 =	sne.s32 s6, $0x3D;
	s6 =	sadd.s32 $0x1, s6;
	v17 =	vld [tilespmem:s5+$0x0];
	v19 =	vmul.f32 v8, v5  }
.Ltmp3:
0x152: {  	v8 =	vld [tilespmem:s5+$0xFFFFFFE0];
	v12 =	vadd.f32 v15, v12;
	v5 =	vmul.f32 v9, v5;
	v13 =	vadd.f32 v14, v13;
	(pc) =	sbr.rel @p0 .LBB2_7-.Ltmp3, $4  }
0x153: {  	s4 =	sadd.s32 $0x40, s4;
	v9 =	vld [tilespmem:s5+$0xFFFFFFF0];
	v11 =	vadd.f32 v19, v11  }
0x154: {  	s7 =	sand.u32 $0x7C0, s4;
	v10 =	vadd.f32 v5, v10;
	v18 =	vmov v7  }
0x155: {  	v7 =	vld [tilespmem:s7+$0x2780]  }
0x156: {  	s5 =	sadd.s32 $0x40, s5;
	v15 =	vmul.f32 v18, v6;
	v14 =	vmul.f32 v17, v6;
	v5 =	vmov v6;
	v6 =	vld.idx.msk [tilespmem:v16+s3+$0x0], $0xffff  }
0x157: {  	s3 =	simm.s32 $0x40  }
0x158: {  	v17 =	vld [tilespmem:s5+$0x0];
	v16 =	vmov s3  }
0x159: {  	v18 =	vld [tilespmem:s5+$0xFFFFFFE0]  }
0x15a: {  	s28 =	simm.s32 $0x0;
	v19 =	vld [tilespmem:s5+$0xFFFFFFF0];
	s29 =	simm.s32 $0x2F10  }
0x15b: {  	s4 =	sand.u32 $0x1E0, s28;
	v63 =	vld [tilespmem:s29+$0x0]  }
0x15c: {  	v8 =	vmul.f32 v8, v5;
	s30 =	simm.s32 $0x41;
	s3 =	simm.s32 $0x3580;
	v12 =	vadd.f32 v15, v12;
	v20 =	vld [tilespmem:s4+$0x2F00]  }
0x15d: {  	v5 =	vmul.f32 v9, v5;
	v9 =	vadd.f32 v14, v13;
	v13 =	vmov s30;
	v15 =	vld.idx.msk [tilespmem:v16+s3+$0x0], $0xffff  }
0x15e: {  	v8 =	vadd.f32 v8, v11;
	v7 =	vmul.f32 v7, v6;
	v11 =	vmul.f32 v17, v6  }
0x15f: {  	s4 =	simm.s32 $0x20;
	v10 =	vadd.f32 v5, v10;
	v14 =	vmul.f32 v18, v6;
	v6 =	vmul.f32 v19, v6  }
0x160: {  	s31 =	sand.u32 $0x1E0, s4;
	v7 =	vadd.f32 v7, v12;
	v5 =	vadd.f32 v11, v9  }
0x161: {  	v12 =	vimm.f32 $0.0e+00;
	v8 =	vadd.f32 v14, v8;
	v6 =	vadd.f32 v6, v10;
	v11 =	vld [tilespmem:s31+$0x2F00]  }
0x162: {  	s5 =	simm.s32 $0x42;
	s6 =	simm.s32 $0x2F30;
	v9 =	vimm.f32 $0.0e+00;
	v10 =	vld.idx.msk [tilespmem:v13+s3+$0x0], $0xffff;
	v14 =	vmul.f32 v20, v15;
	v13 =	vmul.f32 v63, v15  }
.LBB2_9:
0x163: {  	v15 =	vmov s5;
	p0 =	sne.s32 s5, $0x48;
	s5 =	sadd.s32 $0x1, s5;
	v16 =	vld [tilespmem:s6+$0x0]  }
.Ltmp4:
0x164: {  	v9 =	vadd.f32 v14, v9;
	v12 =	vadd.f32 v13, v12;
	(pc) =	sbr.rel @p0 .LBB2_9-.Ltmp4, $4  }
0x165: {  	s4 =	sadd.s32 $0x20, s4  }
0x166: {  	s7 =	sand.u32 $0x1E0, s4;
	v13 =	vmov v11  }
0x167: {  	v11 =	vld [tilespmem:s7+$0x2F00]  }
0x168: {  	s6 =	sadd.s32 $0x20, s6;
	v14 =	vmul.f32 v13, v10;
	v13 =	vmul.f32 v16, v10;
	v10 =	vld.idx.msk [tilespmem:v15+s3+$0x0], $0xffff  }
0x169: {  	v15 =	vld [tilespmem:s6+$0x0];
	[tilespmem:$0x3600] =	vst v2  }
0x16a: {  	[tilespmem:$0x3610] =	vst v3  }
0x16b: {  	[tilespmem:$0x3620] =	vst v4  }
0x16c: {  	[tilespmem:$0x3630] =	vst v1  }
0x16d: {  	[tilespmem:$0x3640] =	vst v7  }
0x16e: {  	[tilespmem:$0x3650] =	vst v8;
	v59 =	vadd.f32 v14, v9;
	v60 =	vmul.f32 v11, v10  }
0x16f: {  	[tilespmem:$0x3660] =	vst v6;
	v61 =	vadd.f32 v13, v12;
	v62 =	vmul.f32 v15, v10  }
0x170: {  	s3 =	sshll.u32 s1, $0x4;
	[tilespmem:$0x3670] =	vst v5;
	v1 =	vadd.f32 v60, v59  }
0x171: {  	s4 =	sshll.u32 s1, $0x5;
	[tilespmem:$0x36A0] =	vst v0;
	s29 =	simm.s32 $0x80;
	s3 =	sand.u32 $0x70, s3;
	v63 =	vadd.f32 v62, v61  }
0x172: {  	s30 =	simm.s32 $0x400;
	s4 =	sand.u32 $0x100, s4;
	s2 =	sadd.s32 s2, s3;
	[tilespmem:$0x3680] =	vst v1  }
0x173: {  	s5 =	simm.s32 $0x3600;
	s31 =	simm.s32 $0x2;
	s2 =	sadd.s32 s4, s2;
	[tilespmem:$0x3690] =	vst v63  }
0x174: {  	[hbm4b:s2+s29] =	stream.strided.scatter [tilespmem:s5], [sflag:$0x2], $0x100, s30, s29, $0x38;
	[tilespmem:$0x3700] =	vst v63  }
0x175: {  	_ =	swait.ge [sflag:s31], $0x100  }
0x176: {  	[sflag:s31] =	ssyncset.done $0x0  }
0x177: {  	[sflag:s31] =	ssyncadd.s32 $0xFFFFFF00  }
0x178: {  	_ =	sfence.sel $0x180000  }
0x179: {  	[bflag:$0x0] =	sbarrier.arrive $0xFFFF  }
0x17a: {  	p0 =	sne.s32 s1, $0x0;
	_ =	strace $0x90000047  }
0x17b: {  	s0 =	sadd.s32 @!p0 $0x100000, s0;
	[bflag:$0x2] =	sbarrier.arrive $0xFFFF  }
0x17c: {  	[sflag:s0] =	ssyncadd.tile.s32 @!p0 $0x1;
	_ =	shalt  }
.Lfunc_end2:
_tile_overlayer_lowered:
.L_overlay_start_2:
0x17d: {  	(tag) =	ssettag $0x2  }
0x17e: {  	s0 =	rddreg [dreg:$0x0];
	s2 =	stileid.u32  }
0x17f: {  	s1 =	rddreg [dreg:$0x1];
	p0 =	sne.s32 s2, $0x0  }
0x180: {  	s3 =	rddreg [dreg:$0x2];
	[bflag:$0x3] =	sbarrier.arrive $0xFFFF;
	s2 =	simm.s32 @!p0 $0x1C02  }
0x181: {  	[timem:s3], [sflag:s2] =	dma.local @!p0 [hbm:s0], s1  }
0x182: {  	s0 =	simm.s32 @!p0 $0x2  }
0x183: {  	_ =	swait.ge @!p0 [sflag:s0], s1  }
0x184: {  	s1 =	ssub.s32 @!p0 $0x0, s1;
	[sflag:s0] =	ssyncset.done @!p0 $0x0  }
0x185: {  	[sflag:s0] =	ssyncadd.s32 @!p0 s1  }
0x186: {  	[bflag:$0x3] =	sbarrier.arrive $0xFFFF  }
0x187: {  	_ =	shalt  }

</sc_bundles>
